<compile_context>
chip_gen: v7x
topology: tpu7x:2x2x1
jax: 0.10.2.dev20260603
libtpu: 0.0.44.dev20260713+nightly
codegen_flags: <defaults>
</compile_context>

<pallas_src>
import functools

import jax
import jax.numpy as jnp
from jax import lax
from jax.experimental import pallas as pl
from jax.experimental.pallas import tpu as pltpu
from jax.experimental.pallas import tpu_sc as plsc

_N = 10000
_E = 320000
_NC = 2
_NS = 16
_NW = _NC * _NS
_B = 80
_EPW = _E // _NW
_STEPS = _EPW // _B
_RPT = _N // _NS
_ZR = 125
_WR = 624
_WTAIL = _N - _NS * _WR

_MESH = plsc.VectorSubcoreMesh(core_axis_name="c", subcore_axis_name="s")
_SC_PARAMS = pltpu.CompilerParams(needs_layout_passes=False)


def _zero_fill(buf, rows, width):
    def row(i, carry):
        for j in range(width // 16):
            buf[i, pl.ds(j * 16, 16)] = jnp.zeros((16,), jnp.float32)
        return carry
    lax.fori_loop(0, rows, row, 0)


def _seg0_body(x_hbm, src_hbm, dst_hbm, agg_hbm, cnt_hbm,
               srcv, dstv, rows, zbuf, hist, acc_sh, sem):
    c = lax.axis_index("c")
    s = lax.axis_index("s")
    wid = c * _NS + s

    _zero_fill(zbuf, _ZR, 128)

    def hzero(i, carry):
        hist[pl.ds(i * 16, 16)] = jnp.zeros((16,), jnp.float32)
        return carry
    lax.fori_loop(0, _N // 16, hzero, 0)

    for k in range(_RPT // _ZR):
        off = s * _RPT + k * _ZR
        pltpu.sync_copy(zbuf, acc_sh.at[pl.ds(off, _ZR)])
    plsc.subcore_barrier()

    base0 = wid * _EPW
    ones16 = jnp.ones((16,), jnp.float32)

    def step(i, carry):
        base = base0 + i * _B
        pltpu.sync_copy(src_hbm.at[pl.ds(base, _B)], srcv)
        pltpu.sync_copy(dst_hbm.at[pl.ds(base, _B)], dstv)
        pltpu.async_copy(x_hbm.at[srcv], rows, sem).wait()
        pltpu.sync_copy(rows, acc_sh.at[dstv], add=True)
        for j in range(_B // 16):
            idx = dstv[pl.ds(j * 16, 16)]
            plsc.addupdate_scatter(hist, [idx], ones16)
        return carry
    lax.fori_loop(0, _STEPS, step, 0)
    plsc.subcore_barrier()

    pltpu.sync_copy(hist, cnt_hbm.at[pl.ds(wid * _N, _N)])
    off = s * _WR
    pltpu.sync_copy(acc_sh.at[pl.ds(off, _WR)], agg_hbm.at[c, pl.ds(off, _WR)])

    @pl.when(s == 0)
    def _tail():
        t = _NS * _WR
        pltpu.sync_copy(acc_sh.at[pl.ds(t, _WTAIL)], agg_hbm.at[c, pl.ds(t, _WTAIL)])


_seg0 = functools.partial(
    pl.kernel,
    out_type=[
        jax.ShapeDtypeStruct((_NC, _N, 128), jnp.float32),
        jax.ShapeDtypeStruct((_NW * _N,), jnp.float32),
    ],
    mesh=_MESH,
    scratch_types=[
        pltpu.VMEM((_B,), jnp.int32),
        pltpu.VMEM((_B,), jnp.int32),
        pltpu.VMEM((_B, 128), jnp.float32),
        pltpu.VMEM((_ZR, 128), jnp.float32),
        pltpu.VMEM((_N,), jnp.float32),
        pltpu.VMEM_SHARED((_N, 128), jnp.float32),
        pltpu.SemaphoreType.DMA,
    ],
    compiler_params=_SC_PARAMS,
)(_seg0_body)


def _seg1_body(p_hbm, src_hbm, dst_hbm, agg_hbm,
               srcv, dstv, rows, zbuf, acc_sh, sem):
    c = lax.axis_index("c")
    s = lax.axis_index("s")
    wid = c * _NS + s

    _zero_fill(zbuf, _ZR, 64)
    for k in range(_RPT // _ZR):
        off = s * _RPT + k * _ZR
        pltpu.sync_copy(zbuf, acc_sh.at[pl.ds(off, _ZR)])
    plsc.subcore_barrier()

    base0 = wid * _EPW

    def step(i, carry):
        base = base0 + i * _B
        pltpu.sync_copy(src_hbm.at[pl.ds(base, _B)], srcv)
        pltpu.sync_copy(dst_hbm.at[pl.ds(base, _B)], dstv)
        pltpu.async_copy(p_hbm.at[srcv], rows, sem).wait()
        pltpu.sync_copy(rows, acc_sh.at[dstv], add=True)
        return carry
    lax.fori_loop(0, _STEPS, step, 0)
    plsc.subcore_barrier()

    off = s * _WR
    pltpu.sync_copy(acc_sh.at[pl.ds(off, _WR)], agg_hbm.at[c, pl.ds(off, _WR)])

    @pl.when(s == 0)
    def _tail():
        t = _NS * _WR
        pltpu.sync_copy(acc_sh.at[pl.ds(t, _WTAIL)], agg_hbm.at[c, pl.ds(t, _WTAIL)])


_seg1 = functools.partial(
    pl.kernel,
    out_type=jax.ShapeDtypeStruct((_NC, _N, 64), jnp.float32),
    mesh=_MESH,
    scratch_types=[
        pltpu.VMEM((_B,), jnp.int32),
        pltpu.VMEM((_B,), jnp.int32),
        pltpu.VMEM((_B, 64), jnp.float32),
        pltpu.VMEM((_ZR, 64), jnp.float32),
        pltpu.VMEM_SHARED((_N, 64), jnp.float32),
        pltpu.SemaphoreType.DMA,
    ],
    compiler_params=pltpu.CompilerParams(needs_layout_passes=False,
                                         use_tc_tiling_on_sc=False),
)(_seg1_body)


_BN = 1000


def _deg_body(dT, o):
    ones = jnp.ones((_NW, 1), jnp.float32)
    deg = jnp.dot(dT[...], ones, precision=lax.Precision.HIGHEST)
    o[...] = 1.0 / jnp.maximum(deg, 1.0)


_degk = pl.pallas_call(
    _deg_body,
    out_shape=jax.ShapeDtypeStruct((_N, 1), jnp.float32),
)


def _tc0_body(a0, a1, d, x, wl0, wf, b0, wl1, h_out, p_out):
    inv = d[...]
    mean = (a0[...] + a1[...]) * inv
    h = jnp.dot(mean, wl0[...], precision=lax.Precision.HIGHEST)
    h = h + jnp.dot(x[...], wf[...], precision=lax.Precision.HIGHEST)
    h = jnp.maximum(h + b0[...], 0.0)
    h_out[...] = h
    p_out[...] = jnp.dot(h, wl1[...], precision=lax.Precision.HIGHEST)


def _tc1_body(g0, g1, d, h, wr1, b1, o):
    inv = d[...]
    o[...] = ((g0[...] + g1[...]) * inv
              + jnp.dot(h[...], wr1[...], precision=lax.Precision.HIGHEST)
              + b1[...])


def _row_spec(w):
    return pl.BlockSpec((_BN, w), lambda i: (i, 0))


def _full_spec(r, w):
    return pl.BlockSpec((r, w), lambda i: (0, 0))


_tc0 = pl.pallas_call(
    _tc0_body,
    grid=(_N // _BN,),
    in_specs=[
        _row_spec(128), _row_spec(128),
        _row_spec(1),
        _row_spec(128), _full_spec(128, 128), _full_spec(128, 128),
        _full_spec(1, 128), _full_spec(128, 64),
    ],
    out_specs=[_row_spec(128), _row_spec(64)],
    out_shape=[
        jax.ShapeDtypeStruct((_N, 128), jnp.float32),
        jax.ShapeDtypeStruct((_N, 64), jnp.float32),
    ],
)

_tc1 = pl.pallas_call(
    _tc1_body,
    grid=(_N // _BN,),
    in_specs=[
        _row_spec(64), _row_spec(64),
        _row_spec(1),
        _row_spec(128), _full_spec(128, 64), _full_spec(1, 64),
    ],
    out_specs=_row_spec(64),
    out_shape=jax.ShapeDtypeStruct((_N, 64), jnp.float32),
)


def kernel(x, edge_index, Wl0, Wr0, b0, Ws0, Wl1, Wr1, b1):
    src = edge_index[0]
    dst = edge_index[1]
    wf = Wr0 + Ws0

    agg, cnt = _seg0(x, src, dst)
    invdeg = _degk(cnt.reshape(_NW, _N).T)
    h, p = _tc0(agg[0], agg[1], invdeg, x, Wl0, wf,
                b0.reshape(1, 128), Wl1)
    aggp = _seg1(p, src, dst)
    out = _tc1(aggp[0], aggp[1], invdeg, h, Wr1, b1.reshape(1, 64))
    return out

# --- scband reference (transcript-rebuilt; emitter-appended) ---
"""Pipeline reference for scband-sage-15925738733668 (READ-ONLY COPY).

The authoritative reference and input builder live on the scoring server;
editing this copy changes nothing except your own understanding.
"""

import jax, jax.numpy as jnp
import numpy as np

N = 10000
E = 320000
D_IN = 128
D_H = 128
D_OUT = 64


def setup_inputs(seed: int = 0) -> dict:
    key = jax.random.key(seed)
    ks = jax.random.split(key, 10)
    x = jax.random.normal(ks[0], (N, D_IN), dtype=jnp.float32)
    edge_index = jax.random.randint(ks[1], (2, E), 0, N, dtype=jnp.int32)

    def glorot(k, shape):
        fan_in = shape[0]
        return jax.random.normal(k, shape, dtype=jnp.float32) * (1.0 / np.sqrt(fan_in))

    # Layer 0: SAGEConv(in_feats -> h_feats): lin_l (neighbor agg), lin_r (root), bias
    Wl0 = glorot(ks[2], (D_IN, D_H))
    Wr0 = glorot(ks[3], (D_IN, D_H))
    b0 = jnp.zeros((D_H,), dtype=jnp.float32)
    # Skip projection 0 (no bias)
    Ws0 = glorot(ks[4], (D_IN, D_H))
    # Layer 1: SAGEConv(h_feats -> num_classes)
    Wl1 = glorot(ks[5], (D_H, D_OUT))
    Wr1 = glorot(ks[6], (D_H, D_OUT))
    b1 = jnp.zeros((D_OUT,), dtype=jnp.float32)
    return {
        "x": x,
        "edge_index": edge_index,
        "Wl0": Wl0,
        "Wr0": Wr0,
        "b0": b0,
        "Ws0": Ws0,
        "Wl1": Wl1,
        "Wr1": Wr1,
        "b1": b1,
    }


def _sage_conv(x, src, dst, Wl, Wr, b):
    # mean aggregation of neighbor messages (src -> dst)
    msgs = jnp.take(x, src, axis=0)
    agg = jax.ops.segment_sum(msgs, dst, num_segments=N)
    deg = jax.ops.segment_sum(jnp.ones((src.shape[0],), dtype=x.dtype), dst, num_segments=N)
    mean = agg / jnp.clip(deg, 1.0, None)[:, None]
    return mean @ Wl + x @ Wr + b


def reference(x, edge_index, Wl0, Wr0, b0, Ws0, Wl1, Wr1, b1):
    src = edge_index[0]
    dst = edge_index[1]
    # Layer 0 + residual skip + relu (dropout is identity in eval mode)
    h = _sage_conv(x, src, dst, Wl0, Wr0, b0)
    h = h + x @ Ws0
    h = jax.nn.relu(h)
    # Layer 1 (output layer, no skip/activation)
    out = _sage_conv(h, src, dst, Wl1, Wr1, b1)
    return out

if __name__ == "__main__":
    import jax
    _d = setup_inputs()
    print(jax.jit(kernel)(*tuple(_d.values())))

</pallas_src>

<mosaic_0001>
#map = affine_map<(d0, d1) -> (0, 0)>
#map1 = affine_map<(d0, d1) -> (0)>
#map2 = affine_map<(d0, d1) -> (0, 0, 0)>
module attributes {stable_mosaic.version = 14 : i64} {
  func.func @_seg0_body(%arg0: i32, %arg1: i32, %arg2: memref<10000x128xf32, #tpu.memory_space<hbm>>, %arg3: memref<320000xi32, #tpu.memory_space<hbm>>, %arg4: memref<320000xi32, #tpu.memory_space<hbm>>, %arg5: memref<2x10000x128xf32, #tpu.memory_space<hbm>>, %arg6: memref<320000xf32, #tpu.memory_space<hbm>>, %arg7: memref<80xi32, #tpu.memory_space<vmem>>, %arg8: memref<80xi32, #tpu.memory_space<vmem>>, %arg9: memref<80x128xf32, #tpu.memory_space<vmem>>, %arg10: memref<125x128xf32, #tpu.memory_space<vmem>>, %arg11: memref<10000xf32, #tpu.memory_space<vmem>>, %arg12: memref<10000x128xf32, #tpu.memory_space<vmem_shared>>, %arg13: memref<!tpu.dma_semaphore, #tpu.memory_space<semaphore_mem>>) attributes {dimension_semantics = [#tpu.dimension_semantics<core_parallel>, #tpu.dimension_semantics<subcore_parallel>], iteration_bounds = array<i64: 2, 16>, scalar_prefetch = 0 : i64, scratch_operands = 7 : i64, tpu.core_type = #tpu.core_type<sc_vector_subcore>, window_params = [{transform_indices = #map}, {transform_indices = #map1}, {transform_indices = #map1}, {transform_indices = #map2}, {transform_indices = #map1}]} {
    %mul3A = arith.constant 16 : i32
    %mul3A_0 = arith.muli %arg0, %mul3A : i32
    %add3A = arith.addi %mul3A_0, %arg1 : i32
    %scan3A = arith.constant 0 : i32
    %scan3A_1 = arith.constant 0 : i32
    %scan3A_2 = arith.constant 125 : i32
    %scan3A_3 = arith.addi %scan3A_1, %scan3A_2 : i32
    %scan3A_4 = arith.constant 1 : i32
    scf.for %scan3A_48 = %scan3A_1 to %scan3A_3 step %scan3A_4  : i32 {
      %broadcast_in_dim3A_49 = arith.constant 0.000000e+00 : f32
      %broadcast_in_dim3A_50 = vector.broadcast %broadcast_in_dim3A_49 : f32 to vector<16xf32>
      %swap3A = arith.index_cast %scan3A_48 : i32 to index
      %swap3A_51 = arith.constant 0 : index
      %swap3A_52 = tpu.vector_load %arg10[%swap3A, %swap3A_51] {strides = array<i32>} : memref<125x128xf32, #tpu.memory_space<vmem>>, vector<16xf32>,
      tpu.vector_store %arg10[%swap3A, %swap3A_51], %broadcast_in_dim3A_50 {strides = array<i32>} : memref<125x128xf32, #tpu.memory_space<vmem>>, vector<16xf32>,
      %broadcast_in_dim3A_53 = arith.constant 0.000000e+00 : f32
      %broadcast_in_dim3A_54 = vector.broadcast %broadcast_in_dim3A_53 : f32 to vector<16xf32>
      %swap3A_55 = arith.index_cast %scan3A_48 : i32 to index
      %swap3A_56 = arith.constant 16 : index
      %swap3A_57 = tpu.vector_load %arg10[%swap3A_55, %swap3A_56] {strides = array<i32>} : memref<125x128xf32, #tpu.memory_space<vmem>>, vector<16xf32>,
      tpu.vector_store %arg10[%swap3A_55, %swap3A_56], %broadcast_in_dim3A_54 {strides = array<i32>} : memref<125x128xf32, #tpu.memory_space<vmem>>, vector<16xf32>,
      %broadcast_in_dim3A_58 = arith.constant 0.000000e+00 : f32
      %broadcast_in_dim3A_59 = vector.broadcast %broadcast_in_dim3A_58 : f32 to vector<16xf32>
      %swap3A_60 = arith.index_cast %scan3A_48 : i32 to index
      %swap3A_61 = arith.constant 32 : index
      %swap3A_62 = tpu.vector_load %arg10[%swap3A_60, %swap3A_61] {strides = array<i32>} : memref<125x128xf32, #tpu.memory_space<vmem>>, vector<16xf32>,
      tpu.vector_store %arg10[%swap3A_60, %swap3A_61], %broadcast_in_dim3A_59 {strides = array<i32>} : memref<125x128xf32, #tpu.memory_space<vmem>>, vector<16xf32>,
      %broadcast_in_dim3A_63 = arith.constant 0.000000e+00 : f32
      %broadcast_in_dim3A_64 = vector.broadcast %broadcast_in_dim3A_63 : f32 to vector<16xf32>
      %swap3A_65 = arith.index_cast %scan3A_48 : i32 to index
      %swap3A_66 = arith.constant 48 : index
      %swap3A_67 = tpu.vector_load %arg10[%swap3A_65, %swap3A_66] {strides = array<i32>} : memref<125x128xf32, #tpu.memory_space<vmem>>, vector<16xf32>,
      tpu.vector_store %arg10[%swap3A_65, %swap3A_66], %broadcast_in_dim3A_64 {strides = array<i32>} : memref<125x128xf32, #tpu.memory_space<vmem>>, vector<16xf32>,
      %broadcast_in_dim3A_68 = arith.constant 0.000000e+00 : f32
      %broadcast_in_dim3A_69 = vector.broadcast %broadcast_in_dim3A_68 : f32 to vector<16xf32>
      %swap3A_70 = arith.index_cast %scan3A_48 : i32 to index
      %swap3A_71 = arith.constant 64 : index
      %swap3A_72 = tpu.vector_load %arg10[%swap3A_70, %swap3A_71] {strides = array<i32>} : memref<125x128xf32, #tpu.memory_space<vmem>>, vector<16xf32>,
      tpu.vector_store %arg10[%swap3A_70, %swap3A_71], %broadcast_in_dim3A_69 {strides = array<i32>} : memref<125x128xf32, #tpu.memory_space<vmem>>, vector<16xf32>,
      %broadcast_in_dim3A_73 = arith.constant 0.000000e+00 : f32
      %broadcast_in_dim3A_74 = vector.broadcast %broadcast_in_dim3A_73 : f32 to vector<16xf32>
      %swap3A_75 = arith.index_cast %scan3A_48 : i32 to index
      %swap3A_76 = arith.constant 80 : index
      %swap3A_77 = tpu.vector_load %arg10[%swap3A_75, %swap3A_76] {strides = array<i32>} : memref<125x128xf32, #tpu.memory_space<vmem>>, vector<16xf32>,
      tpu.vector_store %arg10[%swap3A_75, %swap3A_76], %broadcast_in_dim3A_74 {strides = array<i32>} : memref<125x128xf32, #tpu.memory_space<vmem>>, vector<16xf32>,
      %broadcast_in_dim3A_78 = arith.constant 0.000000e+00 : f32
      %broadcast_in_dim3A_79 = vector.broadcast %broadcast_in_dim3A_78 : f32 to vector<16xf32>
      %swap3A_80 = arith.index_cast %scan3A_48 : i32 to index
      %swap3A_81 = arith.constant 96 : index
      %swap3A_82 = tpu.vector_load %arg10[%swap3A_80, %swap3A_81] {strides = array<i32>} : memref<125x128xf32, #tpu.memory_space<vmem>>, vector<16xf32>,
      tpu.vector_store %arg10[%swap3A_80, %swap3A_81], %broadcast_in_dim3A_79 {strides = array<i32>} : memref<125x128xf32, #tpu.memory_space<vmem>>, vector<16xf32>,
      %broadcast_in_dim3A_83 = arith.constant 0.000000e+00 : f32
      %broadcast_in_dim3A_84 = vector.broadcast %broadcast_in_dim3A_83 : f32 to vector<16xf32>
      %swap3A_85 = arith.index_cast %scan3A_48 : i32 to index
      %swap3A_86 = arith.constant 112 : index
      %swap3A_87 = tpu.vector_load %arg10[%swap3A_85, %swap3A_86] {strides = array<i32>} : memref<125x128xf32, #tpu.memory_space<vmem>>, vector<16xf32>,
      tpu.vector_store %arg10[%swap3A_85, %swap3A_86], %broadcast_in_dim3A_84 {strides = array<i32>} : memref<125x128xf32, #tpu.memory_space<vmem>>, vector<16xf32>,
    }
    %scan3A_5 = arith.constant 125 : i32
    %scan3A_6 = arith.constant 0 : i32
    %scan3A_7 = arith.constant 0 : i32
    %scan3A_8 = arith.constant 625 : i32
    %scan3A_9 = arith.addi %scan3A_7, %scan3A_8 : i32
    %scan3A_10 = arith.constant 1 : i32
    scf.for %scan3A_48 = %scan3A_7 to %scan3A_9 step %scan3A_10  : i32 {
      %broadcast_in_dim3A_49 = arith.constant 0.000000e+00 : f32
      %broadcast_in_dim3A_50 = vector.broadcast %broadcast_in_dim3A_49 : f32 to vector<16xf32>
      %mul3A_51 = arith.constant 16 : i32
      %mul3A_52 = arith.muli %scan3A_48, %mul3A_51 : i32
      %swap3A = arith.index_cast %mul3A_52 : i32 to index
      %swap3A_53 = tpu.vector_load %arg11[%swap3A] {strides = array<i32>} : memref<10000xf32, #tpu.memory_space<vmem>>, vector<16xf32>,
      tpu.vector_store %arg11[%swap3A], %broadcast_in_dim3A_50 {strides = array<i32>} : memref<10000xf32, #tpu.memory_space<vmem>>, vector<16xf32>,
    }
    %scan3A_11 = arith.constant 625 : i32
    %mul3A_12 = arith.constant 625 : i32
    %mul3A_13 = arith.muli %arg1, %mul3A_12 : i32
    %add3A_14 = arith.constant 0 : i32
    %add3A_15 = arith.addi %mul3A_13, %add3A_14 : i32
    "tpu.region"() ({
      %run_scoped3A = tpu.sem_alloc : memref<!tpu.dma_semaphore, #tpu.memory_space<semaphore_mem>>
      %dma_start3A = arith.constant 0 : i32
      %dma_start3A_48 = tpu.memref_slice %arg12[%add3A_15, %dma_start3A] : memref<10000x128xf32, #tpu.memory_space<vmem_shared>> -> memref<125x128xf32, #tpu.memory_space<vmem_shared>>
      %dma_start3A_49 = arith.constant 0 : i32
      %dma_start3A_50 = tpu.memref_slice %arg12[%add3A_15, %dma_start3A_49] : memref<10000x128xf32, #tpu.memory_space<vmem_shared>> -> memref<125x128xf32, #tpu.memory_space<vmem_shared>>
      tpu.enqueue_dma source(%arg10 : memref<125x128xf32, #tpu.memory_space<vmem>>) target(%dma_start3A_50 : memref<125x128xf32, #tpu.memory_space<vmem_shared>>) target_semaphore(%run_scoped3A : memref<!tpu.dma_semaphore, #tpu.memory_space<semaphore_mem>>)
      %dma_wait3A = arith.constant 0 : i32
      %dma_wait3A_51 = tpu.memref_slice %arg12[%add3A_15, %dma_wait3A] : memref<10000x128xf32, #tpu.memory_space<vmem_shared>> -> memref<125x128xf32, #tpu.memory_space<vmem_shared>>
      %dma_wait3A_52 = arith.constant 0 : i32
      %dma_wait3A_53 = tpu.memref_slice %arg12[%add3A_15, %dma_wait3A_52] : memref<10000x128xf32, #tpu.memory_space<vmem_shared>> -> memref<125x128xf32, #tpu.memory_space<vmem_shared>>
      tpu.wait_dma2 semaphore(%run_scoped3A : memref<!tpu.dma_semaphore, #tpu.memory_space<semaphore_mem>>) src(%arg10 : memref<125x128xf32, #tpu.memory_space<vmem>>) dst(%dma_wait3A_53 : memref<125x128xf32, #tpu.memory_space<vmem_shared>>)
      tpu.yield
    }) : () -> ()
    %mul3A_16 = arith.constant 625 : i32
    %mul3A_17 = arith.muli %arg1, %mul3A_16 : i32
    %add3A_18 = arith.constant 125 : i32
    %add3A_19 = arith.addi %mul3A_17, %add3A_18 : i32
    "tpu.region"() ({
      %run_scoped3A = tpu.sem_alloc : memref<!tpu.dma_semaphore, #tpu.memory_space<semaphore_mem>>
      %dma_start3A = arith.constant 0 : i32
      %dma_start3A_48 = tpu.memref_slice %arg12[%add3A_19, %dma_start3A] : memref<10000x128xf32, #tpu.memory_space<vmem_shared>> -> memref<125x128xf32, #tpu.memory_space<vmem_shared>>
      %dma_start3A_49 = arith.constant 0 : i32
      %dma_start3A_50 = tpu.memref_slice %arg12[%add3A_19, %dma_start3A_49] : memref<10000x128xf32, #tpu.memory_space<vmem_shared>> -> memref<125x128xf32, #tpu.memory_space<vmem_shared>>
      tpu.enqueue_dma source(%arg10 : memref<125x128xf32, #tpu.memory_space<vmem>>) target(%dma_start3A_50 : memref<125x128xf32, #tpu.memory_space<vmem_shared>>) target_semaphore(%run_scoped3A : memref<!tpu.dma_semaphore, #tpu.memory_space<semaphore_mem>>)
      %dma_wait3A = arith.constant 0 : i32
      %dma_wait3A_51 = tpu.memref_slice %arg12[%add3A_19, %dma_wait3A] : memref<10000x128xf32, #tpu.memory_space<vmem_shared>> -> memref<125x128xf32, #tpu.memory_space<vmem_shared>>
      %dma_wait3A_52 = arith.constant 0 : i32
      %dma_wait3A_53 = tpu.memref_slice %arg12[%add3A_19, %dma_wait3A_52] : memref<10000x128xf32, #tpu.memory_space<vmem_shared>> -> memref<125x128xf32, #tpu.memory_space<vmem_shared>>
      tpu.wait_dma2 semaphore(%run_scoped3A : memref<!tpu.dma_semaphore, #tpu.memory_space<semaphore_mem>>) src(%arg10 : memref<125x128xf32, #tpu.memory_space<vmem>>) dst(%dma_wait3A_53 : memref<125x128xf32, #tpu.memory_space<vmem_shared>>)
      tpu.yield
    }) : () -> ()
    %mul3A_20 = arith.constant 625 : i32
    %mul3A_21 = arith.muli %arg1, %mul3A_20 : i32
    %add3A_22 = arith.constant 250 : i32
    %add3A_23 = arith.addi %mul3A_21, %add3A_22 : i32
    "tpu.region"() ({
      %run_scoped3A = tpu.sem_alloc : memref<!tpu.dma_semaphore, #tpu.memory_space<semaphore_mem>>
      %dma_start3A = arith.constant 0 : i32
      %dma_start3A_48 = tpu.memref_slice %arg12[%add3A_23, %dma_start3A] : memref<10000x128xf32, #tpu.memory_space<vmem_shared>> -> memref<125x128xf32, #tpu.memory_space<vmem_shared>>
      %dma_start3A_49 = arith.constant 0 : i32
      %dma_start3A_50 = tpu.memref_slice %arg12[%add3A_23, %dma_start3A_49] : memref<10000x128xf32, #tpu.memory_space<vmem_shared>> -> memref<125x128xf32, #tpu.memory_space<vmem_shared>>
      tpu.enqueue_dma source(%arg10 : memref<125x128xf32, #tpu.memory_space<vmem>>) target(%dma_start3A_50 : memref<125x128xf32, #tpu.memory_space<vmem_shared>>) target_semaphore(%run_scoped3A : memref<!tpu.dma_semaphore, #tpu.memory_space<semaphore_mem>>)
      %dma_wait3A = arith.constant 0 : i32
      %dma_wait3A_51 = tpu.memref_slice %arg12[%add3A_23, %dma_wait3A] : memref<10000x128xf32, #tpu.memory_space<vmem_shared>> -> memref<125x128xf32, #tpu.memory_space<vmem_shared>>
      %dma_wait3A_52 = arith.constant 0 : i32
      %dma_wait3A_53 = tpu.memref_slice %arg12[%add3A_23, %dma_wait3A_52] : memref<10000x128xf32, #tpu.memory_space<vmem_shared>> -> memref<125x128xf32, #tpu.memory_space<vmem_shared>>
      tpu.wait_dma2 semaphore(%run_scoped3A : memref<!tpu.dma_semaphore, #tpu.memory_space<semaphore_mem>>) src(%arg10 : memref<125x128xf32, #tpu.memory_space<vmem>>) dst(%dma_wait3A_53 : memref<125x128xf32, #tpu.memory_space<vmem_shared>>)
      tpu.yield
    }) : () -> ()
    %mul3A_24 = arith.constant 625 : i32
    %mul3A_25 = arith.muli %arg1, %mul3A_24 : i32
    %add3A_26 = arith.constant 375 : i32
    %add3A_27 = arith.addi %mul3A_25, %add3A_26 : i32
    "tpu.region"() ({
      %run_scoped3A = tpu.sem_alloc : memref<!tpu.dma_semaphore, #tpu.memory_space<semaphore_mem>>
      %dma_start3A = arith.constant 0 : i32
      %dma_start3A_48 = tpu.memref_slice %arg12[%add3A_27, %dma_start3A] : memref<10000x128xf32, #tpu.memory_space<vmem_shared>> -> memref<125x128xf32, #tpu.memory_space<vmem_shared>>
      %dma_start3A_49 = arith.constant 0 : i32
      %dma_start3A_50 = tpu.memref_slice %arg12[%add3A_27, %dma_start3A_49] : memref<10000x128xf32, #tpu.memory_space<vmem_shared>> -> memref<125x128xf32, #tpu.memory_space<vmem_shared>>
      tpu.enqueue_dma source(%arg10 : memref<125x128xf32, #tpu.memory_space<vmem>>) target(%dma_start3A_50 : memref<125x128xf32, #tpu.memory_space<vmem_shared>>) target_semaphore(%run_scoped3A : memref<!tpu.dma_semaphore, #tpu.memory_space<semaphore_mem>>)
      %dma_wait3A = arith.constant 0 : i32
      %dma_wait3A_51 = tpu.memref_slice %arg12[%add3A_27, %dma_wait3A] : memref<10000x128xf32, #tpu.memory_space<vmem_shared>> -> memref<125x128xf32, #tpu.memory_space<vmem_shared>>
      %dma_wait3A_52 = arith.constant 0 : i32
      %dma_wait3A_53 = tpu.memref_slice %arg12[%add3A_27, %dma_wait3A_52] : memref<10000x128xf32, #tpu.memory_space<vmem_shared>> -> memref<125x128xf32, #tpu.memory_space<vmem_shared>>
      tpu.wait_dma2 semaphore(%run_scoped3A : memref<!tpu.dma_semaphore, #tpu.memory_space<semaphore_mem>>) src(%arg10 : memref<125x128xf32, #tpu.memory_space<vmem>>) dst(%dma_wait3A_53 : memref<125x128xf32, #tpu.memory_space<vmem_shared>>)
      tpu.yield
    }) : () -> ()
    %mul3A_28 = arith.constant 625 : i32
    %mul3A_29 = arith.muli %arg1, %mul3A_28 : i32
    %add3A_30 = arith.constant 500 : i32
    %add3A_31 = arith.addi %mul3A_29, %add3A_30 : i32
    "tpu.region"() ({
      %run_scoped3A = tpu.sem_alloc : memref<!tpu.dma_semaphore, #tpu.memory_space<semaphore_mem>>
      %dma_start3A = arith.constant 0 : i32
      %dma_start3A_48 = tpu.memref_slice %arg12[%add3A_31, %dma_start3A] : memref<10000x128xf32, #tpu.memory_space<vmem_shared>> -> memref<125x128xf32, #tpu.memory_space<vmem_shared>>
      %dma_start3A_49 = arith.constant 0 : i32
      %dma_start3A_50 = tpu.memref_slice %arg12[%add3A_31, %dma_start3A_49] : memref<10000x128xf32, #tpu.memory_space<vmem_shared>> -> memref<125x128xf32, #tpu.memory_space<vmem_shared>>
      tpu.enqueue_dma source(%arg10 : memref<125x128xf32, #tpu.memory_space<vmem>>) target(%dma_start3A_50 : memref<125x128xf32, #tpu.memory_space<vmem_shared>>) target_semaphore(%run_scoped3A : memref<!tpu.dma_semaphore, #tpu.memory_space<semaphore_mem>>)
      %dma_wait3A = arith.constant 0 : i32
      %dma_wait3A_51 = tpu.memref_slice %arg12[%add3A_31, %dma_wait3A] : memref<10000x128xf32, #tpu.memory_space<vmem_shared>> -> memref<125x128xf32, #tpu.memory_space<vmem_shared>>
      %dma_wait3A_52 = arith.constant 0 : i32
      %dma_wait3A_53 = tpu.memref_slice %arg12[%add3A_31, %dma_wait3A_52] : memref<10000x128xf32, #tpu.memory_space<vmem_shared>> -> memref<125x128xf32, #tpu.memory_space<vmem_shared>>
      tpu.wait_dma2 semaphore(%run_scoped3A : memref<!tpu.dma_semaphore, #tpu.memory_space<semaphore_mem>>) src(%arg10 : memref<125x128xf32, #tpu.memory_space<vmem>>) dst(%dma_wait3A_53 : memref<125x128xf32, #tpu.memory_space<vmem_shared>>)
      tpu.yield
    }) : () -> ()
    %barrier3A = arith.constant 0 : index
    tpu.barrier barrier_id(%barrier3A)
    %mul3A_32 = arith.constant 10000 : i32
    %mul3A_33 = arith.muli %add3A, %mul3A_32 : i32
    %broadcast_in_dim3A = arith.constant 1.000000e+00 : f32
    %broadcast_in_dim3A_34 = vector.broadcast %broadcast_in_dim3A : f32 to vector<16xf32>
    %scan3A_35 = arith.constant 0 : i32
    %scan3A_36 = arith.constant 0 : i32
    %scan3A_37 = arith.constant 125 : i32
    %scan3A_38 = arith.addi %scan3A_36, %scan3A_37 : i32
    %scan3A_39 = arith.constant 1 : i32
    scf.for %scan3A_48 = %scan3A_36 to %scan3A_38 step %scan3A_39  : i32 {
      %mul3A_49 = arith.constant 80 : i32
      %mul3A_50 = arith.muli %scan3A_48, %mul3A_49 : i32
      %add3A_51 = arith.addi %mul3A_33, %mul3A_50 : i32
      "tpu.region"() ({
        %run_scoped3A = tpu.sem_alloc : memref<!tpu.dma_semaphore, #tpu.memory_space<semaphore_mem>>
        %dma_start3A_65 = tpu.memref_slice %arg3[%add3A_51] : memref<320000xi32, #tpu.memory_space<hbm>> -> memref<80xi32, #tpu.memory_space<hbm>>
        %dma_start3A_66 = tpu.memref_slice %arg3[%add3A_51] : memref<320000xi32, #tpu.memory_space<hbm>> -> memref<80xi32, #tpu.memory_space<hbm>>
        tpu.enqueue_dma source(%dma_start3A_66 : memref<80xi32, #tpu.memory_space<hbm>>) target(%arg7 : memref<80xi32, #tpu.memory_space<vmem>>) target_semaphore(%run_scoped3A : memref<!tpu.dma_semaphore, #tpu.memory_space<semaphore_mem>>)
        %dma_wait3A_67 = tpu.memref_slice %arg3[%add3A_51] : memref<320000xi32, #tpu.memory_space<hbm>> -> memref<80xi32, #tpu.memory_space<hbm>>
        %dma_wait3A_68 = tpu.memref_slice %arg3[%add3A_51] : memref<320000xi32, #tpu.memory_space<hbm>> -> memref<80xi32, #tpu.memory_space<hbm>>
        tpu.wait_dma2 semaphore(%run_scoped3A : memref<!tpu.dma_semaphore, #tpu.memory_space<semaphore_mem>>) src(%dma_wait3A_68 : memref<80xi32, #tpu.memory_space<hbm>>) dst(%arg7 : memref<80xi32, #tpu.memory_space<vmem>>)
        tpu.yield
      }) : () -> ()
      "tpu.region"() ({
        %run_scoped3A = tpu.sem_alloc : memref<!tpu.dma_semaphore, #tpu.memory_space<semaphore_mem>>
        %dma_start3A_65 = tpu.memref_slice %arg4[%add3A_51] : memref<320000xi32, #tpu.memory_space<hbm>> -> memref<80xi32, #tpu.memory_space<hbm>>
        %dma_start3A_66 = tpu.memref_slice %arg4[%add3A_51] : memref<320000xi32, #tpu.memory_space<hbm>> -> memref<80xi32, #tpu.memory_space<hbm>>
        tpu.enqueue_dma source(%dma_start3A_66 : memref<80xi32, #tpu.memory_space<hbm>>) target(%arg8 : memref<80xi32, #tpu.memory_space<vmem>>) target_semaphore(%run_scoped3A : memref<!tpu.dma_semaphore, #tpu.memory_space<semaphore_mem>>)
        %dma_wait3A_67 = tpu.memref_slice %arg4[%add3A_51] : memref<320000xi32, #tpu.memory_space<hbm>> -> memref<80xi32, #tpu.memory_space<hbm>>
        %dma_wait3A_68 = tpu.memref_slice %arg4[%add3A_51] : memref<320000xi32, #tpu.memory_space<hbm>> -> memref<80xi32, #tpu.memory_space<hbm>>
        tpu.wait_dma2 semaphore(%run_scoped3A : memref<!tpu.dma_semaphore, #tpu.memory_space<semaphore_mem>>) src(%dma_wait3A_68 : memref<80xi32, #tpu.memory_space<hbm>>) dst(%arg8 : memref<80xi32, #tpu.memory_space<vmem>>)
        tpu.yield
      }) : () -> ()
      %dma_start3A = arith.constant 0 : i32
      %dma_start3A_52 = arith.constant 0 : i32
      %dma_start3A_53 = tpu.memref_slice %arg2[%dma_start3A, %dma_start3A_52] : memref<10000x128xf32, #tpu.memory_space<hbm>> -> memref<10000x128xf32, #tpu.memory_space<hbm>>
      tpu.enqueue_indirect_dma source(%dma_start3A_53 : memref<10000x128xf32, #tpu.memory_space<hbm>>) target(%arg9 : memref<80x128xf32, #tpu.memory_space<vmem>>) offsets(%arg7 : memref<80xi32, #tpu.memory_space<vmem>>) semaphore(%arg13 : memref<!tpu.dma_semaphore, #tpu.memory_space<semaphore_mem>>)
      %dma_wait3A = arith.constant 0 : i32
      %dma_wait3A_54 = arith.constant 0 : i32
      %dma_wait3A_55 = tpu.memref_slice %arg2[%dma_wait3A, %dma_wait3A_54] : memref<10000x128xf32, #tpu.memory_space<hbm>> -> memref<10000x128xf32, #tpu.memory_space<hbm>>
      tpu.wait_indirect_dma semaphore(%arg13 : memref<!tpu.dma_semaphore, #tpu.memory_space<semaphore_mem>>) src(%dma_wait3A_55 : memref<10000x128xf32, #tpu.memory_space<hbm>>) dst(%arg9 : memref<80x128xf32, #tpu.memory_space<vmem>>)
      "tpu.region"() ({
        %run_scoped3A = tpu.sem_alloc : memref<!tpu.dma_semaphore, #tpu.memory_space<semaphore_mem>>
        %dma_start3A_65 = arith.constant 0 : i32
        %dma_start3A_66 = arith.constant 0 : i32
        %dma_start3A_67 = tpu.memref_slice %arg12[%dma_start3A_65, %dma_start3A_66] : memref<10000x128xf32, #tpu.memory_space<vmem_shared>> -> memref<10000x128xf32, #tpu.memory_space<vmem_shared>>
        tpu.enqueue_indirect_dma source(%arg9 : memref<80x128xf32, #tpu.memory_space<vmem>>) target(%dma_start3A_67 : memref<10000x128xf32, #tpu.memory_space<vmem_shared>>) offsets(%arg8 : memref<80xi32, #tpu.memory_space<vmem>>) semaphore(%run_scoped3A : memref<!tpu.dma_semaphore, #tpu.memory_space<semaphore_mem>>) {add = true}
        %dma_wait3A_68 = arith.constant 0 : i32
        %dma_wait3A_69 = arith.constant 0 : i32
        %dma_wait3A_70 = tpu.memref_slice %arg12[%dma_wait3A_68, %dma_wait3A_69] : memref<10000x128xf32, #tpu.memory_space<vmem_shared>> -> memref<10000x128xf32, #tpu.memory_space<vmem_shared>>
        tpu.wait_indirect_dma semaphore(%run_scoped3A : memref<!tpu.dma_semaphore, #tpu.memory_space<semaphore_mem>>) src(%arg9 : memref<80x128xf32, #tpu.memory_space<vmem>>) dst(%dma_wait3A_70 : memref<10000x128xf32, #tpu.memory_space<vmem_shared>>)
        tpu.yield
      }) : () -> ()
      %get3A = arith.constant 0 : index
      %get3A_56 = tpu.vector_load %arg8[%get3A] {strides = array<i32>} : memref<80xi32, #tpu.memory_space<vmem>>, vector<16xi32>,
      tpu.vector_store_idx %arg11[%get3A_56], %broadcast_in_dim3A_34 {add = true} : memref<10000xf32, #tpu.memory_space<vmem>>[vector<16xi32>], vector<16xf32>,
      %get3A_57 = arith.constant 16 : index
      %get3A_58 = tpu.vector_load %arg8[%get3A_57] {strides = array<i32>} : memref<80xi32, #tpu.memory_space<vmem>>, vector<16xi32>,
      tpu.vector_store_idx %arg11[%get3A_58], %broadcast_in_dim3A_34 {add = true} : memref<10000xf32, #tpu.memory_space<vmem>>[vector<16xi32>], vector<16xf32>,
      %get3A_59 = arith.constant 32 : index
      %get3A_60 = tpu.vector_load %arg8[%get3A_59] {strides = array<i32>} : memref<80xi32, #tpu.memory_space<vmem>>, vector<16xi32>,
      tpu.vector_store_idx %arg11[%get3A_60], %broadcast_in_dim3A_34 {add = true} : memref<10000xf32, #tpu.memory_space<vmem>>[vector<16xi32>], vector<16xf32>,
      %get3A_61 = arith.constant 48 : index
      %get3A_62 = tpu.vector_load %arg8[%get3A_61] {strides = array<i32>} : memref<80xi32, #tpu.memory_space<vmem>>, vector<16xi32>,
      tpu.vector_store_idx %arg11[%get3A_62], %broadcast_in_dim3A_34 {add = true} : memref<10000xf32, #tpu.memory_space<vmem>>[vector<16xi32>], vector<16xf32>,
      %get3A_63 = arith.constant 64 : index
      %get3A_64 = tpu.vector_load %arg8[%get3A_63] {strides = array<i32>} : memref<80xi32, #tpu.memory_space<vmem>>, vector<16xi32>,
      tpu.vector_store_idx %arg11[%get3A_64], %broadcast_in_dim3A_34 {add = true} : memref<10000xf32, #tpu.memory_space<vmem>>[vector<16xi32>], vector<16xf32>,
    }
    %scan3A_40 = arith.constant 125 : i32
    %barrier3A_41 = arith.constant 0 : index
    tpu.barrier barrier_id(%barrier3A_41)
    %mul3A_42 = arith.constant 10000 : i32
    %mul3A_43 = arith.muli %add3A, %mul3A_42 : i32
    "tpu.region"() ({
      %run_scoped3A = tpu.sem_alloc : memref<!tpu.dma_semaphore, #tpu.memory_space<semaphore_mem>>
      %dma_start3A = tpu.memref_slice %arg6[%mul3A_43] : memref<320000xf32, #tpu.memory_space<hbm>> -> memref<10000xf32, #tpu.memory_space<hbm>>
      %dma_start3A_48 = tpu.memref_slice %arg6[%mul3A_43] : memref<320000xf32, #tpu.memory_space<hbm>> -> memref<10000xf32, #tpu.memory_space<hbm>>
      tpu.enqueue_dma source(%arg11 : memref<10000xf32, #tpu.memory_space<vmem>>) target(%dma_start3A_48 : memref<10000xf32, #tpu.memory_space<hbm>>) target_semaphore(%run_scoped3A : memref<!tpu.dma_semaphore, #tpu.memory_space<semaphore_mem>>)
      %dma_wait3A = tpu.memref_slice %arg6[%mul3A_43] : memref<320000xf32, #tpu.memory_space<hbm>> -> memref<10000xf32, #tpu.memory_space<hbm>>
      %dma_wait3A_49 = tpu.memref_slice %arg6[%mul3A_43] : memref<320000xf32, #tpu.memory_space<hbm>> -> memref<10000xf32, #tpu.memory_space<hbm>>
      tpu.wait_dma2 semaphore(%run_scoped3A : memref<!tpu.dma_semaphore, #tpu.memory_space<semaphore_mem>>) src(%arg11 : memref<10000xf32, #tpu.memory_space<vmem>>) dst(%dma_wait3A_49 : memref<10000xf32, #tpu.memory_space<hbm>>)
      tpu.yield
    }) : () -> ()
    %mul3A_44 = arith.constant 624 : i32
    %mul3A_45 = arith.muli %arg1, %mul3A_44 : i32
    "tpu.region"() ({
      %run_scoped3A = tpu.sem_alloc : memref<!tpu.dma_semaphore, #tpu.memory_space<semaphore_mem>>
      %dma_start3A = arith.constant 0 : i32
      %dma_start3A_48 = tpu.memref_slice %arg5[%arg0, %mul3A_45, %dma_start3A] : memref<2x10000x128xf32, #tpu.memory_space<hbm>> -> memref<1x624x128xf32, #tpu.memory_space<hbm>>
      %dma_start3A_49 = tpu.memref_squeeze %dma_start3A_48 : memref<1x624x128xf32, #tpu.memory_space<hbm>> -> memref<624x128xf32, #tpu.memory_space<hbm>>
      %dma_start3A_50 = arith.constant 0 : i32
      %dma_start3A_51 = tpu.memref_slice %arg12[%mul3A_45, %dma_start3A_50] : memref<10000x128xf32, #tpu.memory_space<vmem_shared>> -> memref<624x128xf32, #tpu.memory_space<vmem_shared>>
      tpu.enqueue_dma source(%dma_start3A_51 : memref<624x128xf32, #tpu.memory_space<vmem_shared>>) target(%dma_start3A_49 : memref<624x128xf32, #tpu.memory_space<hbm>>) target_semaphore(%run_scoped3A : memref<!tpu.dma_semaphore, #tpu.memory_space<semaphore_mem>>)
      %dma_wait3A = arith.constant 0 : i32
      %dma_wait3A_52 = tpu.memref_slice %arg5[%arg0, %mul3A_45, %dma_wait3A] : memref<2x10000x128xf32, #tpu.memory_space<hbm>> -> memref<1x624x128xf32, #tpu.memory_space<hbm>>
      %dma_wait3A_53 = tpu.memref_squeeze %dma_wait3A_52 : memref<1x624x128xf32, #tpu.memory_space<hbm>> -> memref<624x128xf32, #tpu.memory_space<hbm>>
      %dma_wait3A_54 = arith.constant 0 : i32
      %dma_wait3A_55 = tpu.memref_slice %arg12[%mul3A_45, %dma_wait3A_54] : memref<10000x128xf32, #tpu.memory_space<vmem_shared>> -> memref<624x128xf32, #tpu.memory_space<vmem_shared>>
      tpu.wait_dma2 semaphore(%run_scoped3A : memref<!tpu.dma_semaphore, #tpu.memory_space<semaphore_mem>>) src(%dma_wait3A_55 : memref<624x128xf32, #tpu.memory_space<vmem_shared>>) dst(%dma_wait3A_53 : memref<624x128xf32, #tpu.memory_space<hbm>>)
      tpu.yield
    }) : () -> ()
    %eq3A = arith.constant 0 : i32
    %eq3A_46 = arith.cmpi eq, %arg1, %eq3A : i32
    %convert_element_type3A = arith.extui %eq3A_46 : i1 to i32
    %cond3A = arith.constant 0 : i32
    %cond3A_47 = arith.cmpi ne, %convert_element_type3A, %cond3A : i32
    scf.if %cond3A_47 {
      "tpu.region"() ({
        %run_scoped3A = tpu.sem_alloc : memref<!tpu.dma_semaphore, #tpu.memory_space<semaphore_mem>>
        %dma_start3A = arith.constant 9984 : i32
        %dma_start3A_48 = arith.constant 0 : i32
        %dma_start3A_49 = tpu.memref_slice %arg5[%arg0, %dma_start3A, %dma_start3A_48] : memref<2x10000x128xf32, #tpu.memory_space<hbm>> -> memref<1x16x128xf32, #tpu.memory_space<hbm>>
        %dma_start3A_50 = tpu.memref_squeeze %dma_start3A_49 : memref<1x16x128xf32, #tpu.memory_space<hbm>> -> memref<16x128xf32, #tpu.memory_space<hbm>>
        %dma_start3A_51 = arith.constant 9984 : i32
        %dma_start3A_52 = arith.constant 0 : i32
        %dma_start3A_53 = tpu.memref_slice %arg12[%dma_start3A_51, %dma_start3A_52] : memref<10000x128xf32, #tpu.memory_space<vmem_shared>> -> memref<16x128xf32, #tpu.memory_space<vmem_shared>>
        tpu.enqueue_dma source(%dma_start3A_53 : memref<16x128xf32, #tpu.memory_space<vmem_shared>>) target(%dma_start3A_50 : memref<16x128xf32, #tpu.memory_space<hbm>>) target_semaphore(%run_scoped3A : memref<!tpu.dma_semaphore, #tpu.memory_space<semaphore_mem>>)
        %dma_wait3A = arith.constant 9984 : i32
        %dma_wait3A_54 = arith.constant 0 : i32
        %dma_wait3A_55 = tpu.memref_slice %arg5[%arg0, %dma_wait3A, %dma_wait3A_54] : memref<2x10000x128xf32, #tpu.memory_space<hbm>> -> memref<1x16x128xf32, #tpu.memory_space<hbm>>
        %dma_wait3A_56 = tpu.memref_squeeze %dma_wait3A_55 : memref<1x16x128xf32, #tpu.memory_space<hbm>> -> memref<16x128xf32, #tpu.memory_space<hbm>>
        %dma_wait3A_57 = arith.constant 9984 : i32
        %dma_wait3A_58 = arith.constant 0 : i32
        %dma_wait3A_59 = tpu.memref_slice %arg12[%dma_wait3A_57, %dma_wait3A_58] : memref<10000x128xf32, #tpu.memory_space<vmem_shared>> -> memref<16x128xf32, #tpu.memory_space<vmem_shared>>
        tpu.wait_dma2 semaphore(%run_scoped3A : memref<!tpu.dma_semaphore, #tpu.memory_space<semaphore_mem>>) src(%dma_wait3A_59 : memref<16x128xf32, #tpu.memory_space<vmem_shared>>) dst(%dma_wait3A_56 : memref<16x128xf32, #tpu.memory_space<hbm>>)
        tpu.yield
      }) : () -> ()
    } else {
    }
    return
  }
}

#map = affine_map<(d0, d1) -> (0, 0)>
#map1 = affine_map<(d0, d1) -> (0)>
#map2 = affine_map<(d0, d1) -> (0, 0, 0)>
module attributes {stable_mosaic.version = 14 : i64} {
  func.func @_seg1_body(%arg0: i32, %arg1: i32, %arg2: memref<10000x64xf32, #tpu.memory_space<hbm>>, %arg3: memref<320000xi32, #tpu.memory_space<hbm>>, %arg4: memref<320000xi32, #tpu.memory_space<hbm>>, %arg5: memref<2x10000x64xf32, #tpu.memory_space<hbm>>, %arg6: memref<80xi32, #tpu.memory_space<vmem>>, %arg7: memref<80xi32, #tpu.memory_space<vmem>>, %arg8: memref<80x64xf32, #tpu.memory_space<vmem>>, %arg9: memref<125x64xf32, #tpu.memory_space<vmem>>, %arg10: memref<10000x64xf32, #tpu.memory_space<vmem_shared>>, %arg11: memref<!tpu.dma_semaphore, #tpu.memory_space<semaphore_mem>>) attributes {dimension_semantics = [#tpu.dimension_semantics<core_parallel>, #tpu.dimension_semantics<subcore_parallel>], iteration_bounds = array<i64: 2, 16>, scalar_prefetch = 0 : i64, scratch_operands = 6 : i64, tpu.core_type = #tpu.core_type<sc_vector_subcore>, window_params = [{transform_indices = #map}, {transform_indices = #map1}, {transform_indices = #map1}, {transform_indices = #map2}]} {
    %mul3A = arith.constant 16 : i32
    %mul3A_0 = arith.muli %arg0, %mul3A : i32
    %add3A = arith.addi %mul3A_0, %arg1 : i32
    %scan3A = arith.constant 0 : i32
    %scan3A_1 = arith.constant 0 : i32
    %scan3A_2 = arith.constant 125 : i32
    %scan3A_3 = arith.addi %scan3A_1, %scan3A_2 : i32
    %scan3A_4 = arith.constant 1 : i32
    scf.for %scan3A_39 = %scan3A_1 to %scan3A_3 step %scan3A_4  : i32 {
      %broadcast_in_dim3A = arith.constant 0.000000e+00 : f32
      %broadcast_in_dim3A_40 = vector.broadcast %broadcast_in_dim3A : f32 to vector<16xf32>
      %swap3A = arith.index_cast %scan3A_39 : i32 to index
      %swap3A_41 = arith.constant 0 : index
      %swap3A_42 = tpu.vector_load %arg9[%swap3A, %swap3A_41] {strides = array<i32>} : memref<125x64xf32, #tpu.memory_space<vmem>>, vector<16xf32>,
      tpu.vector_store %arg9[%swap3A, %swap3A_41], %broadcast_in_dim3A_40 {strides = array<i32>} : memref<125x64xf32, #tpu.memory_space<vmem>>, vector<16xf32>,
      %broadcast_in_dim3A_43 = arith.constant 0.000000e+00 : f32
      %broadcast_in_dim3A_44 = vector.broadcast %broadcast_in_dim3A_43 : f32 to vector<16xf32>
      %swap3A_45 = arith.index_cast %scan3A_39 : i32 to index
      %swap3A_46 = arith.constant 16 : index
      %swap3A_47 = tpu.vector_load %arg9[%swap3A_45, %swap3A_46] {strides = array<i32>} : memref<125x64xf32, #tpu.memory_space<vmem>>, vector<16xf32>,
      tpu.vector_store %arg9[%swap3A_45, %swap3A_46], %broadcast_in_dim3A_44 {strides = array<i32>} : memref<125x64xf32, #tpu.memory_space<vmem>>, vector<16xf32>,
      %broadcast_in_dim3A_48 = arith.constant 0.000000e+00 : f32
      %broadcast_in_dim3A_49 = vector.broadcast %broadcast_in_dim3A_48 : f32 to vector<16xf32>
      %swap3A_50 = arith.index_cast %scan3A_39 : i32 to index
      %swap3A_51 = arith.constant 32 : index
      %swap3A_52 = tpu.vector_load %arg9[%swap3A_50, %swap3A_51] {strides = array<i32>} : memref<125x64xf32, #tpu.memory_space<vmem>>, vector<16xf32>,
      tpu.vector_store %arg9[%swap3A_50, %swap3A_51], %broadcast_in_dim3A_49 {strides = array<i32>} : memref<125x64xf32, #tpu.memory_space<vmem>>, vector<16xf32>,
      %broadcast_in_dim3A_53 = arith.constant 0.000000e+00 : f32
      %broadcast_in_dim3A_54 = vector.broadcast %broadcast_in_dim3A_53 : f32 to vector<16xf32>
      %swap3A_55 = arith.index_cast %scan3A_39 : i32 to index
      %swap3A_56 = arith.constant 48 : index
      %swap3A_57 = tpu.vector_load %arg9[%swap3A_55, %swap3A_56] {strides = array<i32>} : memref<125x64xf32, #tpu.memory_space<vmem>>, vector<16xf32>,
      tpu.vector_store %arg9[%swap3A_55, %swap3A_56], %broadcast_in_dim3A_54 {strides = array<i32>} : memref<125x64xf32, #tpu.memory_space<vmem>>, vector<16xf32>,
    }
    %scan3A_5 = arith.constant 125 : i32
    %mul3A_6 = arith.constant 625 : i32
    %mul3A_7 = arith.muli %arg1, %mul3A_6 : i32
    %add3A_8 = arith.constant 0 : i32
    %add3A_9 = arith.addi %mul3A_7, %add3A_8 : i32
    "tpu.region"() ({
      %run_scoped3A = tpu.sem_alloc : memref<!tpu.dma_semaphore, #tpu.memory_space<semaphore_mem>>
      %dma_start3A = arith.constant 0 : i32
      %dma_start3A_39 = tpu.memref_slice %arg10[%add3A_9, %dma_start3A] : memref<10000x64xf32, #tpu.memory_space<vmem_shared>> -> memref<125x64xf32, #tpu.memory_space<vmem_shared>>
      %dma_start3A_40 = arith.constant 0 : i32
      %dma_start3A_41 = tpu.memref_slice %arg10[%add3A_9, %dma_start3A_40] : memref<10000x64xf32, #tpu.memory_space<vmem_shared>> -> memref<125x64xf32, #tpu.memory_space<vmem_shared>>
      tpu.enqueue_dma source(%arg9 : memref<125x64xf32, #tpu.memory_space<vmem>>) target(%dma_start3A_41 : memref<125x64xf32, #tpu.memory_space<vmem_shared>>) target_semaphore(%run_scoped3A : memref<!tpu.dma_semaphore, #tpu.memory_space<semaphore_mem>>)
      %dma_wait3A = arith.constant 0 : i32
      %dma_wait3A_42 = tpu.memref_slice %arg10[%add3A_9, %dma_wait3A] : memref<10000x64xf32, #tpu.memory_space<vmem_shared>> -> memref<125x64xf32, #tpu.memory_space<vmem_shared>>
      %dma_wait3A_43 = arith.constant 0 : i32
      %dma_wait3A_44 = tpu.memref_slice %arg10[%add3A_9, %dma_wait3A_43] : memref<10000x64xf32, #tpu.memory_space<vmem_shared>> -> memref<125x64xf32, #tpu.memory_space<vmem_shared>>
      tpu.wait_dma2 semaphore(%run_scoped3A : memref<!tpu.dma_semaphore, #tpu.memory_space<semaphore_mem>>) src(%arg9 : memref<125x64xf32, #tpu.memory_space<vmem>>) dst(%dma_wait3A_44 : memref<125x64xf32, #tpu.memory_space<vmem_shared>>)
      tpu.yield
    }) : () -> ()
    %mul3A_10 = arith.constant 625 : i32
    %mul3A_11 = arith.muli %arg1, %mul3A_10 : i32
    %add3A_12 = arith.constant 125 : i32
    %add3A_13 = arith.addi %mul3A_11, %add3A_12 : i32
    "tpu.region"() ({
      %run_scoped3A = tpu.sem_alloc : memref<!tpu.dma_semaphore, #tpu.memory_space<semaphore_mem>>
      %dma_start3A = arith.constant 0 : i32
      %dma_start3A_39 = tpu.memref_slice %arg10[%add3A_13, %dma_start3A] : memref<10000x64xf32, #tpu.memory_space<vmem_shared>> -> memref<125x64xf32, #tpu.memory_space<vmem_shared>>
      %dma_start3A_40 = arith.constant 0 : i32
      %dma_start3A_41 = tpu.memref_slice %arg10[%add3A_13, %dma_start3A_40] : memref<10000x64xf32, #tpu.memory_space<vmem_shared>> -> memref<125x64xf32, #tpu.memory_space<vmem_shared>>
      tpu.enqueue_dma source(%arg9 : memref<125x64xf32, #tpu.memory_space<vmem>>) target(%dma_start3A_41 : memref<125x64xf32, #tpu.memory_space<vmem_shared>>) target_semaphore(%run_scoped3A : memref<!tpu.dma_semaphore, #tpu.memory_space<semaphore_mem>>)
      %dma_wait3A = arith.constant 0 : i32
      %dma_wait3A_42 = tpu.memref_slice %arg10[%add3A_13, %dma_wait3A] : memref<10000x64xf32, #tpu.memory_space<vmem_shared>> -> memref<125x64xf32, #tpu.memory_space<vmem_shared>>
      %dma_wait3A_43 = arith.constant 0 : i32
      %dma_wait3A_44 = tpu.memref_slice %arg10[%add3A_13, %dma_wait3A_43] : memref<10000x64xf32, #tpu.memory_space<vmem_shared>> -> memref<125x64xf32, #tpu.memory_space<vmem_shared>>
      tpu.wait_dma2 semaphore(%run_scoped3A : memref<!tpu.dma_semaphore, #tpu.memory_space<semaphore_mem>>) src(%arg9 : memref<125x64xf32, #tpu.memory_space<vmem>>) dst(%dma_wait3A_44 : memref<125x64xf32, #tpu.memory_space<vmem_shared>>)
      tpu.yield
    }) : () -> ()
    %mul3A_14 = arith.constant 625 : i32
    %mul3A_15 = arith.muli %arg1, %mul3A_14 : i32
    %add3A_16 = arith.constant 250 : i32
    %add3A_17 = arith.addi %mul3A_15, %add3A_16 : i32
    "tpu.region"() ({
      %run_scoped3A = tpu.sem_alloc : memref<!tpu.dma_semaphore, #tpu.memory_space<semaphore_mem>>
      %dma_start3A = arith.constant 0 : i32
      %dma_start3A_39 = tpu.memref_slice %arg10[%add3A_17, %dma_start3A] : memref<10000x64xf32, #tpu.memory_space<vmem_shared>> -> memref<125x64xf32, #tpu.memory_space<vmem_shared>>
      %dma_start3A_40 = arith.constant 0 : i32
      %dma_start3A_41 = tpu.memref_slice %arg10[%add3A_17, %dma_start3A_40] : memref<10000x64xf32, #tpu.memory_space<vmem_shared>> -> memref<125x64xf32, #tpu.memory_space<vmem_shared>>
      tpu.enqueue_dma source(%arg9 : memref<125x64xf32, #tpu.memory_space<vmem>>) target(%dma_start3A_41 : memref<125x64xf32, #tpu.memory_space<vmem_shared>>) target_semaphore(%run_scoped3A : memref<!tpu.dma_semaphore, #tpu.memory_space<semaphore_mem>>)
      %dma_wait3A = arith.constant 0 : i32
      %dma_wait3A_42 = tpu.memref_slice %arg10[%add3A_17, %dma_wait3A] : memref<10000x64xf32, #tpu.memory_space<vmem_shared>> -> memref<125x64xf32, #tpu.memory_space<vmem_shared>>
      %dma_wait3A_43 = arith.constant 0 : i32
      %dma_wait3A_44 = tpu.memref_slice %arg10[%add3A_17, %dma_wait3A_43] : memref<10000x64xf32, #tpu.memory_space<vmem_shared>> -> memref<125x64xf32, #tpu.memory_space<vmem_shared>>
      tpu.wait_dma2 semaphore(%run_scoped3A : memref<!tpu.dma_semaphore, #tpu.memory_space<semaphore_mem>>) src(%arg9 : memref<125x64xf32, #tpu.memory_space<vmem>>) dst(%dma_wait3A_44 : memref<125x64xf32, #tpu.memory_space<vmem_shared>>)
      tpu.yield
    }) : () -> ()
    %mul3A_18 = arith.constant 625 : i32
    %mul3A_19 = arith.muli %arg1, %mul3A_18 : i32
    %add3A_20 = arith.constant 375 : i32
    %add3A_21 = arith.addi %mul3A_19, %add3A_20 : i32
    "tpu.region"() ({
      %run_scoped3A = tpu.sem_alloc : memref<!tpu.dma_semaphore, #tpu.memory_space<semaphore_mem>>
      %dma_start3A = arith.constant 0 : i32
      %dma_start3A_39 = tpu.memref_slice %arg10[%add3A_21, %dma_start3A] : memref<10000x64xf32, #tpu.memory_space<vmem_shared>> -> memref<125x64xf32, #tpu.memory_space<vmem_shared>>
      %dma_start3A_40 = arith.constant 0 : i32
      %dma_start3A_41 = tpu.memref_slice %arg10[%add3A_21, %dma_start3A_40] : memref<10000x64xf32, #tpu.memory_space<vmem_shared>> -> memref<125x64xf32, #tpu.memory_space<vmem_shared>>
      tpu.enqueue_dma source(%arg9 : memref<125x64xf32, #tpu.memory_space<vmem>>) target(%dma_start3A_41 : memref<125x64xf32, #tpu.memory_space<vmem_shared>>) target_semaphore(%run_scoped3A : memref<!tpu.dma_semaphore, #tpu.memory_space<semaphore_mem>>)
      %dma_wait3A = arith.constant 0 : i32
      %dma_wait3A_42 = tpu.memref_slice %arg10[%add3A_21, %dma_wait3A] : memref<10000x64xf32, #tpu.memory_space<vmem_shared>> -> memref<125x64xf32, #tpu.memory_space<vmem_shared>>
      %dma_wait3A_43 = arith.constant 0 : i32
      %dma_wait3A_44 = tpu.memref_slice %arg10[%add3A_21, %dma_wait3A_43] : memref<10000x64xf32, #tpu.memory_space<vmem_shared>> -> memref<125x64xf32, #tpu.memory_space<vmem_shared>>
      tpu.wait_dma2 semaphore(%run_scoped3A : memref<!tpu.dma_semaphore, #tpu.memory_space<semaphore_mem>>) src(%arg9 : memref<125x64xf32, #tpu.memory_space<vmem>>) dst(%dma_wait3A_44 : memref<125x64xf32, #tpu.memory_space<vmem_shared>>)
      tpu.yield
    }) : () -> ()
    %mul3A_22 = arith.constant 625 : i32
    %mul3A_23 = arith.muli %arg1, %mul3A_22 : i32
    %add3A_24 = arith.constant 500 : i32
    %add3A_25 = arith.addi %mul3A_23, %add3A_24 : i32
    "tpu.region"() ({
      %run_scoped3A = tpu.sem_alloc : memref<!tpu.dma_semaphore, #tpu.memory_space<semaphore_mem>>
      %dma_start3A = arith.constant 0 : i32
      %dma_start3A_39 = tpu.memref_slice %arg10[%add3A_25, %dma_start3A] : memref<10000x64xf32, #tpu.memory_space<vmem_shared>> -> memref<125x64xf32, #tpu.memory_space<vmem_shared>>
      %dma_start3A_40 = arith.constant 0 : i32
      %dma_start3A_41 = tpu.memref_slice %arg10[%add3A_25, %dma_start3A_40] : memref<10000x64xf32, #tpu.memory_space<vmem_shared>> -> memref<125x64xf32, #tpu.memory_space<vmem_shared>>
      tpu.enqueue_dma source(%arg9 : memref<125x64xf32, #tpu.memory_space<vmem>>) target(%dma_start3A_41 : memref<125x64xf32, #tpu.memory_space<vmem_shared>>) target_semaphore(%run_scoped3A : memref<!tpu.dma_semaphore, #tpu.memory_space<semaphore_mem>>)
      %dma_wait3A = arith.constant 0 : i32
      %dma_wait3A_42 = tpu.memref_slice %arg10[%add3A_25, %dma_wait3A] : memref<10000x64xf32, #tpu.memory_space<vmem_shared>> -> memref<125x64xf32, #tpu.memory_space<vmem_shared>>
      %dma_wait3A_43 = arith.constant 0 : i32
      %dma_wait3A_44 = tpu.memref_slice %arg10[%add3A_25, %dma_wait3A_43] : memref<10000x64xf32, #tpu.memory_space<vmem_shared>> -> memref<125x64xf32, #tpu.memory_space<vmem_shared>>
      tpu.wait_dma2 semaphore(%run_scoped3A : memref<!tpu.dma_semaphore, #tpu.memory_space<semaphore_mem>>) src(%arg9 : memref<125x64xf32, #tpu.memory_space<vmem>>) dst(%dma_wait3A_44 : memref<125x64xf32, #tpu.memory_space<vmem_shared>>)
      tpu.yield
    }) : () -> ()
    %barrier3A = arith.constant 0 : index
    tpu.barrier barrier_id(%barrier3A)
    %mul3A_26 = arith.constant 10000 : i32
    %mul3A_27 = arith.muli %add3A, %mul3A_26 : i32
    %scan3A_28 = arith.constant 0 : i32
    %scan3A_29 = arith.constant 0 : i32
    %scan3A_30 = arith.constant 125 : i32
    %scan3A_31 = arith.addi %scan3A_29, %scan3A_30 : i32
    %scan3A_32 = arith.constant 1 : i32
    scf.for %scan3A_39 = %scan3A_29 to %scan3A_31 step %scan3A_32  : i32 {
      %mul3A_40 = arith.constant 80 : i32
      %mul3A_41 = arith.muli %scan3A_39, %mul3A_40 : i32
      %add3A_42 = arith.addi %mul3A_27, %mul3A_41 : i32
      "tpu.region"() ({
        %run_scoped3A = tpu.sem_alloc : memref<!tpu.dma_semaphore, #tpu.memory_space<semaphore_mem>>
        %dma_start3A_47 = tpu.memref_slice %arg3[%add3A_42] : memref<320000xi32, #tpu.memory_space<hbm>> -> memref<80xi32, #tpu.memory_space<hbm>>
        %dma_start3A_48 = tpu.memref_slice %arg3[%add3A_42] : memref<320000xi32, #tpu.memory_space<hbm>> -> memref<80xi32, #tpu.memory_space<hbm>>
        tpu.enqueue_dma source(%dma_start3A_48 : memref<80xi32, #tpu.memory_space<hbm>>) target(%arg6 : memref<80xi32, #tpu.memory_space<vmem>>) target_semaphore(%run_scoped3A : memref<!tpu.dma_semaphore, #tpu.memory_space<semaphore_mem>>)
        %dma_wait3A_49 = tpu.memref_slice %arg3[%add3A_42] : memref<320000xi32, #tpu.memory_space<hbm>> -> memref<80xi32, #tpu.memory_space<hbm>>
        %dma_wait3A_50 = tpu.memref_slice %arg3[%add3A_42] : memref<320000xi32, #tpu.memory_space<hbm>> -> memref<80xi32, #tpu.memory_space<hbm>>
        tpu.wait_dma2 semaphore(%run_scoped3A : memref<!tpu.dma_semaphore, #tpu.memory_space<semaphore_mem>>) src(%dma_wait3A_50 : memref<80xi32, #tpu.memory_space<hbm>>) dst(%arg6 : memref<80xi32, #tpu.memory_space<vmem>>)
        tpu.yield
      }) : () -> ()
      "tpu.region"() ({
        %run_scoped3A = tpu.sem_alloc : memref<!tpu.dma_semaphore, #tpu.memory_space<semaphore_mem>>
        %dma_start3A_47 = tpu.memref_slice %arg4[%add3A_42] : memref<320000xi32, #tpu.memory_space<hbm>> -> memref<80xi32, #tpu.memory_space<hbm>>
        %dma_start3A_48 = tpu.memref_slice %arg4[%add3A_42] : memref<320000xi32, #tpu.memory_space<hbm>> -> memref<80xi32, #tpu.memory_space<hbm>>
        tpu.enqueue_dma source(%dma_start3A_48 : memref<80xi32, #tpu.memory_space<hbm>>) target(%arg7 : memref<80xi32, #tpu.memory_space<vmem>>) target_semaphore(%run_scoped3A : memref<!tpu.dma_semaphore, #tpu.memory_space<semaphore_mem>>)
        %dma_wait3A_49 = tpu.memref_slice %arg4[%add3A_42] : memref<320000xi32, #tpu.memory_space<hbm>> -> memref<80xi32, #tpu.memory_space<hbm>>
        %dma_wait3A_50 = tpu.memref_slice %arg4[%add3A_42] : memref<320000xi32, #tpu.memory_space<hbm>> -> memref<80xi32, #tpu.memory_space<hbm>>
        tpu.wait_dma2 semaphore(%run_scoped3A : memref<!tpu.dma_semaphore, #tpu.memory_space<semaphore_mem>>) src(%dma_wait3A_50 : memref<80xi32, #tpu.memory_space<hbm>>) dst(%arg7 : memref<80xi32, #tpu.memory_space<vmem>>)
        tpu.yield
      }) : () -> ()
      %dma_start3A = arith.constant 0 : i32
      %dma_start3A_43 = arith.constant 0 : i32
      %dma_start3A_44 = tpu.memref_slice %arg2[%dma_start3A, %dma_start3A_43] : memref<10000x64xf32, #tpu.memory_space<hbm>> -> memref<10000x64xf32, #tpu.memory_space<hbm>>
      tpu.enqueue_indirect_dma source(%dma_start3A_44 : memref<10000x64xf32, #tpu.memory_space<hbm>>) target(%arg8 : memref<80x64xf32, #tpu.memory_space<vmem>>) offsets(%arg6 : memref<80xi32, #tpu.memory_space<vmem>>) semaphore(%arg11 : memref<!tpu.dma_semaphore, #tpu.memory_space<semaphore_mem>>)
      %dma_wait3A = arith.constant 0 : i32
      %dma_wait3A_45 = arith.constant 0 : i32
      %dma_wait3A_46 = tpu.memref_slice %arg2[%dma_wait3A, %dma_wait3A_45] : memref<10000x64xf32, #tpu.memory_space<hbm>> -> memref<10000x64xf32, #tpu.memory_space<hbm>>
      tpu.wait_indirect_dma semaphore(%arg11 : memref<!tpu.dma_semaphore, #tpu.memory_space<semaphore_mem>>) src(%dma_wait3A_46 : memref<10000x64xf32, #tpu.memory_space<hbm>>) dst(%arg8 : memref<80x64xf32, #tpu.memory_space<vmem>>)
      "tpu.region"() ({
        %run_scoped3A = tpu.sem_alloc : memref<!tpu.dma_semaphore, #tpu.memory_space<semaphore_mem>>
        %dma_start3A_47 = arith.constant 0 : i32
        %dma_start3A_48 = arith.constant 0 : i32
        %dma_start3A_49 = tpu.memref_slice %arg10[%dma_start3A_47, %dma_start3A_48] : memref<10000x64xf32, #tpu.memory_space<vmem_shared>> -> memref<10000x64xf32, #tpu.memory_space<vmem_shared>>
        tpu.enqueue_indirect_dma source(%arg8 : memref<80x64xf32, #tpu.memory_space<vmem>>) target(%dma_start3A_49 : memref<10000x64xf32, #tpu.memory_space<vmem_shared>>) offsets(%arg7 : memref<80xi32, #tpu.memory_space<vmem>>) semaphore(%run_scoped3A : memref<!tpu.dma_semaphore, #tpu.memory_space<semaphore_mem>>) {add = true}
        %dma_wait3A_50 = arith.constant 0 : i32
        %dma_wait3A_51 = arith.constant 0 : i32
        %dma_wait3A_52 = tpu.memref_slice %arg10[%dma_wait3A_50, %dma_wait3A_51] : memref<10000x64xf32, #tpu.memory_space<vmem_shared>> -> memref<10000x64xf32, #tpu.memory_space<vmem_shared>>
        tpu.wait_indirect_dma semaphore(%run_scoped3A : memref<!tpu.dma_semaphore, #tpu.memory_space<semaphore_mem>>) src(%arg8 : memref<80x64xf32, #tpu.memory_space<vmem>>) dst(%dma_wait3A_52 : memref<10000x64xf32, #tpu.memory_space<vmem_shared>>)
        tpu.yield
      }) : () -> ()
    }
    %scan3A_33 = arith.constant 125 : i32
    %barrier3A_34 = arith.constant 0 : index
    tpu.barrier barrier_id(%barrier3A_34)
    %mul3A_35 = arith.constant 624 : i32
    %mul3A_36 = arith.muli %arg1, %mul3A_35 : i32
    "tpu.region"() ({
      %run_scoped3A = tpu.sem_alloc : memref<!tpu.dma_semaphore, #tpu.memory_space<semaphore_mem>>
      %dma_start3A = arith.constant 0 : i32
      %dma_start3A_39 = tpu.memref_slice %arg5[%arg0, %mul3A_36, %dma_start3A] : memref<2x10000x64xf32, #tpu.memory_space<hbm>> -> memref<1x624x64xf32, #tpu.memory_space<hbm>>
      %dma_start3A_40 = tpu.memref_squeeze %dma_start3A_39 : memref<1x624x64xf32, #tpu.memory_space<hbm>> -> memref<624x64xf32, #tpu.memory_space<hbm>>
      %dma_start3A_41 = arith.constant 0 : i32
      %dma_start3A_42 = tpu.memref_slice %arg10[%mul3A_36, %dma_start3A_41] : memref<10000x64xf32, #tpu.memory_space<vmem_shared>> -> memref<624x64xf32, #tpu.memory_space<vmem_shared>>
      tpu.enqueue_dma source(%dma_start3A_42 : memref<624x64xf32, #tpu.memory_space<vmem_shared>>) target(%dma_start3A_40 : memref<624x64xf32, #tpu.memory_space<hbm>>) target_semaphore(%run_scoped3A : memref<!tpu.dma_semaphore, #tpu.memory_space<semaphore_mem>>)
      %dma_wait3A = arith.constant 0 : i32
      %dma_wait3A_43 = tpu.memref_slice %arg5[%arg0, %mul3A_36, %dma_wait3A] : memref<2x10000x64xf32, #tpu.memory_space<hbm>> -> memref<1x624x64xf32, #tpu.memory_space<hbm>>
      %dma_wait3A_44 = tpu.memref_squeeze %dma_wait3A_43 : memref<1x624x64xf32, #tpu.memory_space<hbm>> -> memref<624x64xf32, #tpu.memory_space<hbm>>
      %dma_wait3A_45 = arith.constant 0 : i32
      %dma_wait3A_46 = tpu.memref_slice %arg10[%mul3A_36, %dma_wait3A_45] : memref<10000x64xf32, #tpu.memory_space<vmem_shared>> -> memref<624x64xf32, #tpu.memory_space<vmem_shared>>
      tpu.wait_dma2 semaphore(%run_scoped3A : memref<!tpu.dma_semaphore, #tpu.memory_space<semaphore_mem>>) src(%dma_wait3A_46 : memref<624x64xf32, #tpu.memory_space<vmem_shared>>) dst(%dma_wait3A_44 : memref<624x64xf32, #tpu.memory_space<hbm>>)
      tpu.yield
    }) : () -> ()
    %eq3A = arith.constant 0 : i32
    %eq3A_37 = arith.cmpi eq, %arg1, %eq3A : i32
    %convert_element_type3A = arith.extui %eq3A_37 : i1 to i32
    %cond3A = arith.constant 0 : i32
    %cond3A_38 = arith.cmpi ne, %convert_element_type3A, %cond3A : i32
    scf.if %cond3A_38 {
      "tpu.region"() ({
        %run_scoped3A = tpu.sem_alloc : memref<!tpu.dma_semaphore, #tpu.memory_space<semaphore_mem>>
        %dma_start3A = arith.constant 9984 : i32
        %dma_start3A_39 = arith.constant 0 : i32
        %dma_start3A_40 = tpu.memref_slice %arg5[%arg0, %dma_start3A, %dma_start3A_39] : memref<2x10000x64xf32, #tpu.memory_space<hbm>> -> memref<1x16x64xf32, #tpu.memory_space<hbm>>
        %dma_start3A_41 = tpu.memref_squeeze %dma_start3A_40 : memref<1x16x64xf32, #tpu.memory_space<hbm>> -> memref<16x64xf32, #tpu.memory_space<hbm>>
        %dma_start3A_42 = arith.constant 9984 : i32
        %dma_start3A_43 = arith.constant 0 : i32
        %dma_start3A_44 = tpu.memref_slice %arg10[%dma_start3A_42, %dma_start3A_43] : memref<10000x64xf32, #tpu.memory_space<vmem_shared>> -> memref<16x64xf32, #tpu.memory_space<vmem_shared>>
        tpu.enqueue_dma source(%dma_start3A_44 : memref<16x64xf32, #tpu.memory_space<vmem_shared>>) target(%dma_start3A_41 : memref<16x64xf32, #tpu.memory_space<hbm>>) target_semaphore(%run_scoped3A : memref<!tpu.dma_semaphore, #tpu.memory_space<semaphore_mem>>)
        %dma_wait3A = arith.constant 9984 : i32
        %dma_wait3A_45 = arith.constant 0 : i32
        %dma_wait3A_46 = tpu.memref_slice %arg5[%arg0, %dma_wait3A, %dma_wait3A_45] : memref<2x10000x64xf32, #tpu.memory_space<hbm>> -> memref<1x16x64xf32, #tpu.memory_space<hbm>>
        %dma_wait3A_47 = tpu.memref_squeeze %dma_wait3A_46 : memref<1x16x64xf32, #tpu.memory_space<hbm>> -> memref<16x64xf32, #tpu.memory_space<hbm>>
        %dma_wait3A_48 = arith.constant 9984 : i32
        %dma_wait3A_49 = arith.constant 0 : i32
        %dma_wait3A_50 = tpu.memref_slice %arg10[%dma_wait3A_48, %dma_wait3A_49] : memref<10000x64xf32, #tpu.memory_space<vmem_shared>> -> memref<16x64xf32, #tpu.memory_space<vmem_shared>>
        tpu.wait_dma2 semaphore(%run_scoped3A : memref<!tpu.dma_semaphore, #tpu.memory_space<semaphore_mem>>) src(%dma_wait3A_50 : memref<16x64xf32, #tpu.memory_space<vmem_shared>>) dst(%dma_wait3A_47 : memref<16x64xf32, #tpu.memory_space<hbm>>)
        tpu.yield
      }) : () -> ()
    } else {
    }
    return
  }
}

module attributes {stable_mosaic.version = 14 : i64} {
  func.func @_deg_body(%arg0: memref<10000x32xf32, #tpu.memory_space<vmem>>, %arg1: memref<10000x1xf32, #tpu.memory_space<vmem>>) attributes {dimension_semantics = [], scalar_prefetch = 0 : i64, scratch_operands = 0 : i64, tpu.core_type = #tpu.core_type<tc>} {
    %broadcast_in_dim3A = arith.constant 1.000000e+00 : f32
    %broadcast_in_dim3A_0 = vector.broadcast %broadcast_in_dim3A : f32 to vector<32x1xf32>
    %get3A = arith.constant 0 : index
    %get3A_1 = arith.constant 0 : index
    %get3A_2 = vector.load %arg0[%get3A, %get3A_1] : memref<10000x32xf32, #tpu.memory_space<vmem>>, vector<10000x32xf32>
    %dot_general3A = arith.constant dense<0.000000e+00> : vector<10000x1xf32>
    %dot_general3A_3 = tpu.matmul %get3A_2, %broadcast_in_dim3A_0, %dot_general3A {dimension_numbers = #tpu.dot_dimension_numbers<[1], [0], [0], [1], [0, 0, 1, 1], [], []>, precision = #tpu.contract_precision<fp32>, transpose_lhs_hint = false} : vector<10000x32xf32>, vector<32x1xf32>, vector<10000x1xf32> -> vector<10000x1xf32>
    %max3A = arith.constant 1.000000e+00 : f32
    %max3A_4 = vector.broadcast %max3A : f32 to vector<10000x1xf32>
    %max3A_5 = arith.maximumf %dot_general3A_3, %max3A_4 : vector<10000x1xf32>
    %div3A = arith.constant 1.000000e+00 : f32
    %div3A_6 = vector.broadcast %div3A : f32 to vector<10000x1xf32>
    %div3A_7 = arith.divf %div3A_6, %max3A_5 : vector<10000x1xf32>
    %swap3A = arith.constant 0 : index
    %swap3A_8 = arith.constant 0 : index
    %swap3A_9 = vector.load %arg1[%swap3A, %swap3A_8] : memref<10000x1xf32, #tpu.memory_space<vmem>>, vector<10000x1xf32>
    tpu.vector_store %arg1[%swap3A, %swap3A_8], %div3A_7 {strides = array<i32>} : memref<10000x1xf32, #tpu.memory_space<vmem>>, vector<10000x1xf32>,
    return
  }
}

module attributes {stable_mosaic.version = 14 : i64} {
  func.func @_tc0_body(%arg0: i32, %arg1: memref<1000x128xf32, #tpu.memory_space<vmem>>, %arg2: memref<1000x128xf32, #tpu.memory_space<vmem>>, %arg3: memref<1000x1xf32, #tpu.memory_space<vmem>>, %arg4: memref<1000x128xf32, #tpu.memory_space<vmem>>, %arg5: memref<128x128xf32, #tpu.memory_space<vmem>>, %arg6: memref<128x128xf32, #tpu.memory_space<vmem>>, %arg7: memref<1x128xf32, #tpu.memory_space<vmem>>, %arg8: memref<128x64xf32, #tpu.memory_space<vmem>>, %arg9: memref<1000x128xf32, #tpu.memory_space<vmem>>, %arg10: memref<1000x64xf32, #tpu.memory_space<vmem>>) attributes {dimension_semantics = [#tpu.dimension_semantics<arbitrary>], iteration_bounds = array<i64: 10>, scalar_prefetch = 0 : i64, scratch_operands = 0 : i64, tpu.core_type = #tpu.core_type<tc>, window_params = [{transform_indices = @transform_0, window_bounds = array<i64: 1000, 128>}, {transform_indices = @transform_1, window_bounds = array<i64: 1000, 128>}, {transform_indices = @transform_2, window_bounds = array<i64: 1000, 1>}, {transform_indices = @transform_3, window_bounds = array<i64: 1000, 128>}, {pipeline_mode = #tpu.pipeline_mode<synchronous>, transform_indices = @transform_4, window_bounds = array<i64: 128, 128>}, {pipeline_mode = #tpu.pipeline_mode<synchronous>, transform_indices = @transform_5, window_bounds = array<i64: 128, 128>}, {pipeline_mode = #tpu.pipeline_mode<synchronous>, transform_indices = @transform_6, window_bounds = array<i64: 1, 128>}, {pipeline_mode = #tpu.pipeline_mode<synchronous>, transform_indices = @transform_7, window_bounds = array<i64: 128, 64>}, {transform_indices = @transform_8, window_bounds = array<i64: 1000, 128>}, {transform_indices = @transform_9, window_bounds = array<i64: 1000, 64>}]} {
    %get3A = arith.constant 0 : index
    %get3A_0 = arith.constant 0 : index
    %get3A_1 = vector.load %arg3[%get3A, %get3A_0] : memref<1000x1xf32, #tpu.memory_space<vmem>>, vector<1000x1xf32>
    %get3A_2 = arith.constant 0 : index
    %get3A_3 = arith.constant 0 : index
    %get3A_4 = vector.load %arg1[%get3A_2, %get3A_3] : memref<1000x128xf32, #tpu.memory_space<vmem>>, vector<1000x128xf32>
    %get3A_5 = arith.constant 0 : index
    %get3A_6 = arith.constant 0 : index
    %get3A_7 = vector.load %arg2[%get3A_5, %get3A_6] : memref<1000x128xf32, #tpu.memory_space<vmem>>, vector<1000x128xf32>
    %add3A = arith.addf %get3A_4, %get3A_7 : vector<1000x128xf32>
    %mul3A = vector.broadcast %get3A_1 : vector<1000x1xf32> to vector<1000x128xf32>
    %mul3A_8 = arith.mulf %add3A, %mul3A : vector<1000x128xf32>
    %get3A_9 = arith.constant 0 : index
    %get3A_10 = arith.constant 0 : index
    %get3A_11 = vector.load %arg5[%get3A_9, %get3A_10] : memref<128x128xf32, #tpu.memory_space<vmem>>, vector<128x128xf32>
    %dot_general3A = arith.constant dense<0.000000e+00> : vector<1000x128xf32>
    %dot_general3A_12 = tpu.matmul %mul3A_8, %get3A_11, %dot_general3A {dimension_numbers = #tpu.dot_dimension_numbers<[1], [0], [0], [1], [0, 0, 1, 1], [], []>, precision = #tpu.contract_precision<fp32>, transpose_lhs_hint = false} : vector<1000x128xf32>, vector<128x128xf32>, vector<1000x128xf32> -> vector<1000x128xf32>
    %get3A_13 = arith.constant 0 : index
    %get3A_14 = arith.constant 0 : index
    %get3A_15 = vector.load %arg4[%get3A_13, %get3A_14] : memref<1000x128xf32, #tpu.memory_space<vmem>>, vector<1000x128xf32>
    %get3A_16 = arith.constant 0 : index
    %get3A_17 = arith.constant 0 : index
    %get3A_18 = vector.load %arg6[%get3A_16, %get3A_17] : memref<128x128xf32, #tpu.memory_space<vmem>>, vector<128x128xf32>
    %dot_general3A_19 = arith.constant dense<0.000000e+00> : vector<1000x128xf32>
    %dot_general3A_20 = tpu.matmul %get3A_15, %get3A_18, %dot_general3A_19 {dimension_numbers = #tpu.dot_dimension_numbers<[1], [0], [0], [1], [0, 0, 1, 1], [], []>, precision = #tpu.contract_precision<fp32>, transpose_lhs_hint = false} : vector<1000x128xf32>, vector<128x128xf32>, vector<1000x128xf32> -> vector<1000x128xf32>
    %add3A_21 = arith.addf %dot_general3A_12, %dot_general3A_20 : vector<1000x128xf32>
    %get3A_22 = arith.constant 0 : index
    %get3A_23 = arith.constant 0 : index
    %get3A_24 = vector.load %arg7[%get3A_22, %get3A_23] : memref<1x128xf32, #tpu.memory_space<vmem>>, vector<1x128xf32>
    %add3A_25 = vector.broadcast %get3A_24 : vector<1x128xf32> to vector<1000x128xf32>
    %add3A_26 = arith.addf %add3A_21, %add3A_25 : vector<1000x128xf32>
    %max3A = arith.constant 0.000000e+00 : f32
    %max3A_27 = vector.broadcast %max3A : f32 to vector<1000x128xf32>
    %max3A_28 = arith.maximumf %add3A_26, %max3A_27 : vector<1000x128xf32>
    %swap3A = arith.constant 0 : index
    %swap3A_29 = arith.constant 0 : index
    %swap3A_30 = vector.load %arg9[%swap3A, %swap3A_29] : memref<1000x128xf32, #tpu.memory_space<vmem>>, vector<1000x128xf32>
    tpu.vector_store %arg9[%swap3A, %swap3A_29], %max3A_28 {strides = array<i32>} : memref<1000x128xf32, #tpu.memory_space<vmem>>, vector<1000x128xf32>,
    %get3A_31 = arith.constant 0 : index
    %get3A_32 = arith.constant 0 : index
    %get3A_33 = vector.load %arg8[%get3A_31, %get3A_32] : memref<128x64xf32, #tpu.memory_space<vmem>>, vector<128x64xf32>
    %dot_general3A_34 = arith.constant dense<0.000000e+00> : vector<1000x64xf32>
    %dot_general3A_35 = tpu.matmul %max3A_28, %get3A_33, %dot_general3A_34 {dimension_numbers = #tpu.dot_dimension_numbers<[1], [0], [0], [1], [0, 0, 1, 1], [], []>, precision = #tpu.contract_precision<fp32>, transpose_lhs_hint = false} : vector<1000x128xf32>, vector<128x64xf32>, vector<1000x64xf32> -> vector<1000x64xf32>
    %swap3A_36 = arith.constant 0 : index
    %swap3A_37 = arith.constant 0 : index
    %swap3A_38 = vector.load %arg10[%swap3A_36, %swap3A_37] : memref<1000x64xf32, #tpu.memory_space<vmem>>, vector<1000x64xf32>
    tpu.vector_store %arg10[%swap3A_36, %swap3A_37], %dot_general3A_35 {strides = array<i32>} : memref<1000x64xf32, #tpu.memory_space<vmem>>, vector<1000x64xf32>,
    return
  }
  func.func @transform_0(%arg0: i32) -> (i32, i32) {
    %c0_i32 = arith.constant 0 : i32
    %c0_i32_0 = arith.constant 0 : i32
    return %arg0, %c0_i32 : i32, i32
  }
  func.func @transform_1(%arg0: i32) -> (i32, i32) {
    %c0_i32 = arith.constant 0 : i32
    %c0_i32_0 = arith.constant 0 : i32
    return %arg0, %c0_i32 : i32, i32
  }
  func.func @transform_2(%arg0: i32) -> (i32, i32) {
    %c0_i32 = arith.constant 0 : i32
    %c0_i32_0 = arith.constant 0 : i32
    return %arg0, %c0_i32 : i32, i32
  }
  func.func @transform_3(%arg0: i32) -> (i32, i32) {
    %c0_i32 = arith.constant 0 : i32
    %c0_i32_0 = arith.constant 0 : i32
    return %arg0, %c0_i32 : i32, i32
  }
  func.func @transform_4(%arg0: i32) -> (i32, i32) {
    %c0_i32 = arith.constant 0 : i32
    %c0_i32_0 = arith.constant 0 : i32
    %c0_i32_1 = arith.constant 0 : i32
    return %c0_i32, %c0_i32_0 : i32, i32
  }
  func.func @transform_5(%arg0: i32) -> (i32, i32) {
    %c0_i32 = arith.constant 0 : i32
    %c0_i32_0 = arith.constant 0 : i32
    %c0_i32_1 = arith.constant 0 : i32
    return %c0_i32, %c0_i32_0 : i32, i32
  }
  func.func @transform_6(%arg0: i32) -> (i32, i32) {
    %c0_i32 = arith.constant 0 : i32
    %c0_i32_0 = arith.constant 0 : i32
    %c0_i32_1 = arith.constant 0 : i32
    return %c0_i32, %c0_i32_0 : i32, i32
  }
  func.func @transform_7(%arg0: i32) -> (i32, i32) {
    %c0_i32 = arith.constant 0 : i32
    %c0_i32_0 = arith.constant 0 : i32
    %c0_i32_1 = arith.constant 0 : i32
    return %c0_i32, %c0_i32_0 : i32, i32
  }
  func.func @transform_8(%arg0: i32) -> (i32, i32) {
    %c0_i32 = arith.constant 0 : i32
    %c0_i32_0 = arith.constant 0 : i32
    return %arg0, %c0_i32 : i32, i32
  }
  func.func @transform_9(%arg0: i32) -> (i32, i32) {
    %c0_i32 = arith.constant 0 : i32
    %c0_i32_0 = arith.constant 0 : i32
    return %arg0, %c0_i32 : i32, i32
  }
}

module attributes {stable_mosaic.version = 14 : i64} {
  func.func @_tc1_body(%arg0: i32, %arg1: memref<1000x64xf32, #tpu.memory_space<vmem>>, %arg2: memref<1000x64xf32, #tpu.memory_space<vmem>>, %arg3: memref<1000x1xf32, #tpu.memory_space<vmem>>, %arg4: memref<1000x128xf32, #tpu.memory_space<vmem>>, %arg5: memref<128x64xf32, #tpu.memory_space<vmem>>, %arg6: memref<1x64xf32, #tpu.memory_space<vmem>>, %arg7: memref<1000x64xf32, #tpu.memory_space<vmem>>) attributes {dimension_semantics = [#tpu.dimension_semantics<arbitrary>], iteration_bounds = array<i64: 10>, scalar_prefetch = 0 : i64, scratch_operands = 0 : i64, tpu.core_type = #tpu.core_type<tc>, window_params = [{transform_indices = @transform_0, window_bounds = array<i64: 1000, 64>}, {transform_indices = @transform_1, window_bounds = array<i64: 1000, 64>}, {transform_indices = @transform_2, window_bounds = array<i64: 1000, 1>}, {transform_indices = @transform_3, window_bounds = array<i64: 1000, 128>}, {pipeline_mode = #tpu.pipeline_mode<synchronous>, transform_indices = @transform_4, window_bounds = array<i64: 128, 64>}, {pipeline_mode = #tpu.pipeline_mode<synchronous>, transform_indices = @transform_5, window_bounds = array<i64: 1, 64>}, {transform_indices = @transform_6, window_bounds = array<i64: 1000, 64>}]} {
    %get3A = arith.constant 0 : index
    %get3A_0 = arith.constant 0 : index
    %get3A_1 = vector.load %arg3[%get3A, %get3A_0] : memref<1000x1xf32, #tpu.memory_space<vmem>>, vector<1000x1xf32>
    %get3A_2 = arith.constant 0 : index
    %get3A_3 = arith.constant 0 : index
    %get3A_4 = vector.load %arg1[%get3A_2, %get3A_3] : memref<1000x64xf32, #tpu.memory_space<vmem>>, vector<1000x64xf32>
    %get3A_5 = arith.constant 0 : index
    %get3A_6 = arith.constant 0 : index
    %get3A_7 = vector.load %arg2[%get3A_5, %get3A_6] : memref<1000x64xf32, #tpu.memory_space<vmem>>, vector<1000x64xf32>
    %add3A = arith.addf %get3A_4, %get3A_7 : vector<1000x64xf32>
    %mul3A = vector.broadcast %get3A_1 : vector<1000x1xf32> to vector<1000x64xf32>
    %mul3A_8 = arith.mulf %add3A, %mul3A : vector<1000x64xf32>
    %get3A_9 = arith.constant 0 : index
    %get3A_10 = arith.constant 0 : index
    %get3A_11 = vector.load %arg4[%get3A_9, %get3A_10] : memref<1000x128xf32, #tpu.memory_space<vmem>>, vector<1000x128xf32>
    %get3A_12 = arith.constant 0 : index
    %get3A_13 = arith.constant 0 : index
    %get3A_14 = vector.load %arg5[%get3A_12, %get3A_13] : memref<128x64xf32, #tpu.memory_space<vmem>>, vector<128x64xf32>
    %dot_general3A = arith.constant dense<0.000000e+00> : vector<1000x64xf32>
    %dot_general3A_15 = tpu.matmul %get3A_11, %get3A_14, %dot_general3A {dimension_numbers = #tpu.dot_dimension_numbers<[1], [0], [0], [1], [0, 0, 1, 1], [], []>, precision = #tpu.contract_precision<fp32>, transpose_lhs_hint = false} : vector<1000x128xf32>, vector<128x64xf32>, vector<1000x64xf32> -> vector<1000x64xf32>
    %add3A_16 = arith.addf %mul3A_8, %dot_general3A_15 : vector<1000x64xf32>
    %get3A_17 = arith.constant 0 : index
    %get3A_18 = arith.constant 0 : index
    %get3A_19 = vector.load %arg6[%get3A_17, %get3A_18] : memref<1x64xf32, #tpu.memory_space<vmem>>, vector<1x64xf32>
    %add3A_20 = vector.broadcast %get3A_19 : vector<1x64xf32> to vector<1000x64xf32>
    %add3A_21 = arith.addf %add3A_16, %add3A_20 : vector<1000x64xf32>
    %swap3A = arith.constant 0 : index
    %swap3A_22 = arith.constant 0 : index
    %swap3A_23 = vector.load %arg7[%swap3A, %swap3A_22] : memref<1000x64xf32, #tpu.memory_space<vmem>>, vector<1000x64xf32>
    tpu.vector_store %arg7[%swap3A, %swap3A_22], %add3A_21 {strides = array<i32>} : memref<1000x64xf32, #tpu.memory_space<vmem>>, vector<1000x64xf32>,
    return
  }
  func.func @transform_0(%arg0: i32) -> (i32, i32) {
    %c0_i32 = arith.constant 0 : i32
    %c0_i32_0 = arith.constant 0 : i32
    return %arg0, %c0_i32 : i32, i32
  }
  func.func @transform_1(%arg0: i32) -> (i32, i32) {
    %c0_i32 = arith.constant 0 : i32
    %c0_i32_0 = arith.constant 0 : i32
    return %arg0, %c0_i32 : i32, i32
  }
  func.func @transform_2(%arg0: i32) -> (i32, i32) {
    %c0_i32 = arith.constant 0 : i32
    %c0_i32_0 = arith.constant 0 : i32
    return %arg0, %c0_i32 : i32, i32
  }
  func.func @transform_3(%arg0: i32) -> (i32, i32) {
    %c0_i32 = arith.constant 0 : i32
    %c0_i32_0 = arith.constant 0 : i32
    return %arg0, %c0_i32 : i32, i32
  }
  func.func @transform_4(%arg0: i32) -> (i32, i32) {
    %c0_i32 = arith.constant 0 : i32
    %c0_i32_0 = arith.constant 0 : i32
    %c0_i32_1 = arith.constant 0 : i32
    return %c0_i32, %c0_i32_0 : i32, i32
  }
  func.func @transform_5(%arg0: i32) -> (i32, i32) {
    %c0_i32 = arith.constant 0 : i32
    %c0_i32_0 = arith.constant 0 : i32
    %c0_i32_1 = arith.constant 0 : i32
    return %c0_i32, %c0_i32_0 : i32, i32
  }
  func.func @transform_6(%arg0: i32) -> (i32, i32) {
    %c0_i32 = arith.constant 0 : i32
    %c0_i32_0 = arith.constant 0 : i32
    return %arg0, %c0_i32 : i32, i32
  }
}

</mosaic_0001>

<sc_bundles>
// kernel: kernel.10.cloned.1.call-start
scs
__scs_entry_jumppad:
0x0: {  	(pc) =	sbr.rel $0x88, $3  }
0x1: {  	(tag) =	ssettag $0x0;
	lr =	simm.s32 $0x1  }
0x2: {  	[smem:$0x3F98] =	sst lr;
	_ =	strace $0xD0000000  }
0x3: {  	_ = 	snop  }
0x4: {  	_ = 	snop  }
0x5: {  	_ = 	snop  }
0x6: {  	_ = 	snop  }
0x7: {  	_ = 	snop  }
__scs_overlays_trampoline_lowered:
0x8: {  	[smem:$0x3FA7] =	sst s0  }
0x9: {  	[smem:$0x3FA8] =	sst s1  }
0xa: {  	[smem:$0x3FA9] =	sst s2  }
0xb: {  	[smem:$0x3FAA] =	sst s3  }
0xc: {  	[smem:$0x3FAB] =	sst s4  }
0xd: {  	[smem:$0x3FAC] =	sst s5  }
0xe: {  	[smem:$0x3FAD] =	sst s6  }
0xf: {  	[smem:$0x3FAE] =	sst s7  }
0x10: {  	[smem:$0x3FAF] =	sst s8  }
0x11: {  	[smem:$0x3FB0] =	sst s9;
	s0 =	simm.s32 @!p0 $0x0  }
0x12: {  	s1 =	sld [smem:$0x3F96];
	s0 =	simm.s32 @p0 $0x1  }
0x13: {  	[smem:$0x3FB1] =	sst s0;
	s0 =	simm.s32 @!p1 $0x0  }
0x14: {  	s2 =	sld [smem:$0x3F95];
	s0 =	simm.s32 @p1 $0x1  }
0x15: {  	[smem:$0x3FB2] =	sst s0;
	s0 =	simm.s32 @!p2 $0x0  }
0x16: {  	s3 =	sld [smem:$0x3FDB];
	s0 =	simm.s32 @p2 $0x1  }
0x17: {  	s4 =	simm.s32 $0x1BF5;
	[smem:$0x3FB4] =	sst s0  }
0x18: {  	s0 =	sld [smem:$0x3F97];
	_ =	swait.ge [sflag:s4], $0x0  }
0x19: {  	s7 =	sld [smem:$0x3F98]  }
0x1a: {  	s8 =	sadd.s32 $0xFFFFE003, lr  }
0x1b: {  	s9 =	sadd.s32 $0xFFFFFEF7, lr;
	s5 =	simm.s32 $0xFFFFFFFF;
	p2 =	slt.u32 s8, $0xFFFFF086  }
0x1c: {  	p1 =	slt.u32 s9, $0xF7A;
	s5 =	simm.s32 @!p2 $0x0  }
0x1d: {  	s5 =	simm.s32 @p1 $0x1;
	p0 =	seq.s32 s7, s2  }
0x1e: {  	s7 =	smul.u32 @!p0 $0xF7A, s2;
	p2 =	seq.s32 @!p0 s5, $0x0  }
0x1f: {  	s9 =	smul.u32 $0xF7A, s1;
	s8 =	simm.s32 @!p0 $0x1BF5;
	p2 =	por !p2, p0  }
0x20: {  	[sflag:s8] =	ssyncset.s32 @!p0 $0xFFFFF086;
	s6 =	sadd.s32 @!p0 s3, s7;
	s7 =	simm.s32 @!p0 $0x108  }
0x21: {  	s3 =	sadd.s32 s3, s9;
	s6 =	sadd.s32 @!p0 $0x88, s6;
	s7 =	simm.s32 @p2 $0x1082  }
0x22: {  	[simem:s7], [sflag:s8] =	dma.local @!p0 [hbm:s6], $0xF7A  }
0x23: {  	s9 =	sor.u32 $0xD0000000, s2;
	s6 =	simm.s32 $0x108;
	_ =	swait.ge @!p0 [sflag:s8], $0x0  }
0x24: {  	s3 =	sadd.s32 $0x88, s3;
	s6 =	simm.s32 @!p1 $0x1082;
	[sflag:s4] =	ssyncset.s32 $0xFFFFF086  }
0x25: {  	[simem:s6], [sflag:s4] =	dma.local [hbm:s3], $0xF7A  }
0x26: {  	[smem:$0x3F98] =	sst s1;
	(tag) =	ssettag s2;
	_ =	strace s9  }
0x27: {  	s1 =	sld [smem:$0x3FA8]  }
0x28: {  	s2 =	sld [smem:$0x3FA9]  }
0x29: {  	s4 =	sld [smem:$0x3FAB]  }
0x2a: {  	p0 =	seq.s32 s5, $0x0;
	s5 =	sld [smem:$0x3FAC]  }
0x2b: {  	s6 =	sld [smem:$0x3FAD]  }
0x2c: {  	s7 =	sld [smem:$0x3FAE]  }
0x2d: {  	s3 =	simm.s32 $0x108;
	s8 =	sld [smem:$0x3FAF]  }
0x2e: {  	s3 =	simm.s32 @!p0 $0x1082;
	s9 =	sld [smem:$0x3FB0]  }
0x2f: {  	lr =	sadd.s32 s0, s3;
	s0 =	sld [smem:$0x3FA7]  }
0x30: {  	s3 =	sld [smem:$0x3FAA]  }
0x31: {  	[smem:$0x3FB3] =	sst s10  }
0x32: {  	s10 =	sld [smem:$0x3FB1];
	_ =	sdelay $0x3  }
0x33: {  	p0 =	seq.s32 s10, $0x1;
	s10 =	sld [smem:$0x3FB3];
	_ =	sdelay $0x3  }
0x34: {  	[smem:$0x3FB3] =	sst s10  }
0x35: {  	s10 =	sld [smem:$0x3FB2];
	_ =	sdelay $0x3  }
0x36: {  	p1 =	seq.s32 s10, $0x1;
	s10 =	sld [smem:$0x3FB3];
	_ =	sdelay $0x3  }
0x37: {  	[smem:$0x3FB3] =	sst s10  }
0x38: {  	s10 =	sld [smem:$0x3FB4]  }
0x39: {  	_ = 	snop;
	(pc) =	sbr.ind lr, $3  }
0x3a: {  	_ = 	snop  }
0x3b: {  	_ = 	snop  }
0x3c: {  	p2 =	seq.s32 s10, $0x1;
	s10 =	sld [smem:$0x3FB3]  }
0x3d: {  	_ =	shalt  }
0x3e: {  	_ =	shalt  }
0x3f: {  	_ =	shalt  }
0x40: {  	_ =	shalt  }
0x41: {  	_ =	shalt  }
0x42: {  	_ =	shalt  }
0x43: {  	_ =	shalt  }
0x44: {  	_ =	shalt  }
0x45: {  	_ =	shalt  }
0x46: {  	_ =	shalt  }
0x47: {  	_ =	shalt  }
0x48: {  	_ =	shalt  }
0x49: {  	_ =	shalt  }
0x4a: {  	_ =	shalt  }
0x4b: {  	_ =	shalt  }
0x4c: {  	_ =	shalt  }
0x4d: {  	_ =	shalt  }
0x4e: {  	_ =	shalt  }
0x4f: {  	_ =	shalt  }
0x50: {  	_ =	shalt  }
0x51: {  	_ =	shalt  }
0x52: {  	_ =	shalt  }
0x53: {  	_ =	shalt  }
0x54: {  	_ =	shalt  }
0x55: {  	_ =	shalt  }
0x56: {  	_ =	shalt  }
0x57: {  	_ =	shalt  }
0x58: {  	_ =	shalt  }
0x59: {  	_ =	shalt  }
0x5a: {  	_ =	shalt  }
0x5b: {  	_ =	shalt  }
0x5c: {  	_ =	shalt  }
0x5d: {  	_ =	shalt  }
0x5e: {  	_ =	shalt  }
0x5f: {  	_ =	shalt  }
0x60: {  	_ =	shalt  }
0x61: {  	_ =	shalt  }
0x62: {  	_ =	shalt  }
0x63: {  	_ =	shalt  }
0x64: {  	_ =	shalt  }
0x65: {  	_ =	shalt  }
0x66: {  	_ =	shalt  }
0x67: {  	_ =	shalt  }
0x68: {  	_ =	shalt  }
0x69: {  	_ =	shalt  }
0x6a: {  	_ =	shalt  }
0x6b: {  	_ =	shalt  }
0x6c: {  	_ =	shalt  }
0x6d: {  	_ =	shalt  }
0x6e: {  	_ =	shalt  }
0x6f: {  	_ =	shalt  }
0x70: {  	_ =	shalt  }
0x71: {  	_ =	shalt  }
0x72: {  	_ =	shalt  }
0x73: {  	_ =	shalt  }
0x74: {  	_ =	shalt  }
0x75: {  	_ =	shalt  }
0x76: {  	_ =	shalt  }
0x77: {  	_ =	shalt  }
0x78: {  	_ =	shalt  }
0x79: {  	_ =	shalt  }
0x7a: {  	_ =	shalt  }
0x7b: {  	_ =	shalt  }
0x7c: {  	_ =	shalt  }
0x7d: {  	_ =	shalt  }
0x7e: {  	_ =	shalt  }
0x7f: {  	_ =	shalt  }
0x80: {  	_ =	shalt  }
0x81: {  	_ =	shalt  }
0x82: {  	_ =	shalt  }
0x83: {  	_ =	shalt  }
0x84: {  	_ =	shalt  }
0x85: {  	_ =	shalt  }
0x86: {  	_ =	shalt  }
0x87: {  	_ =	shalt  }
.Lfunc_end0:
.L_simem_size_0:
called_computation.1_lowered:
.L_overlay_start_0:
0x88: {  	s2 =	sld [smem:$0x3FD9]  }
0x89: {  	s3 =	sld [smem:$0x3FFE];
	_ =	sdelay $0x1  }
0x8a: {  	s1 =	srdreg.scid  }
0x8b: {  	s0 =	sand.u32 $0x1, s1  }
0x8c: {  	s17 =	sshll.u32 s0, $0xA;
	s2 =	sadd.s32 s3, s2  }
0x8d: {  	s2 =	sadd.s32 s2, s17  }
0x8e: {  	[smem:$0x3FBF] =	sst s2  }
0x8f: {  	_ = 	snop  }
0x90: {  	s2 =	sld [smem:$0x3FD0];
	(tm) =	ssettm $0x1  }
0x91: {  	s18 =	sld [smem:$0x3FFB];
	_ =	sdelay $0x3  }
0x92: {  	_ =	strace s18  }
0x93: {  	s3 =	sld [smem:$0x3FFC];
	_ =	sdelay $0x3  }
0x94: {  	_ =	strace s3  }
0x95: {  	s3 =	sld [smem:$0x3FFD];
	_ =	sdelay $0x3  }
0x96: {  	_ =	strace s3  }
0x97: {  	_ =	strace $0x8FFFFFFF  }
0x98: {  	s19 =	sld [smem:$0x3FDB];
	_ =	sdelay $0x1  }
0x99: {  	s4 =	simm.s32 $_scs_section_size  }
0x9a: {  	s5 =	simm.s32 $_size__tile_overlayer_lowered;
	s6 =	simm.s32 $_tile_overlayer_lowered  }
0x9b: {  	s22 =	simm.s32 $0x1BFF;
	s21 =	sshll.u32 s6, $0x1;
	s3 =	sadd.s32 s4, s19  }
0x9c: {  	s7 =	simm.s32 $0x0;
	s20 =	sshll.u32 s5, $0x1;
	s5 =	sadd.s32 s21, s3  }
0x9d: {  	[timem:s7], [sflag:s22] =	dma.local [hbm:s5], s20  }
0x9e: {  	_ =	swait.ge [sflag:s22], s20  }
0x9f: {  	s4 =	ssub.s32 $0x0, s20;
	[sflag:s22] =	ssyncset.done $0x0  }
0xa0: {  	[sflag:s22] =	ssyncadd.s32 s4;
	_ =	sdelay $0x1  }
0xa1: {  	s23 =	simm.s32 $0x1B8B  }
0xa2: {  	_ =	swait.ge [sflag:s23], $0x1  }
0xa3: {  	[sflag:s23] =	ssyncset.done $0x0  }
0xa4: {  	s25 =	simm.s32 $0x1B8E;
	s24 =	sld [smem:$0x3FFE];
	[sflag:s23] =	ssyncadd.s32 $0xFFFFFFFF  }
0xa5: {  	s26 =	simm.s32 $execute0_lowered;
	[smem:$0x3FD2] =	sst s25  }
0xa6: {  	s5 =	sshll.u32 s26, $0x1;
	_ =	strace $0x80000049;
	[dreg:$0x1] =	wrdreg $0xFFFFFFFF  }
0xa7: {  	s28 =	simm.s32 $_size_execute0_lowered;
	s3 =	sadd.s32 s3, s5;
	[dreg:$0x0] =	wrdreg $0x0  }
0xa8: {  	s5 =	sshll.u32 s28, $0x1;
	[dreg:$0x2] =	wrdreg s3  }
0xa9: {  	[dreg:$0x3] =	wrdreg s5  }
0xaa: {  	[dreg:$0x4] =	wrdreg $0xC0  }
0xab: {  	_ =	task [dreg:s7], $0x5FFFF  }
0xac: {  	[dreg:$0x1] =	wrdreg $0xFFFFFFFF  }
0xad: {  	[dreg:$0x0] =	wrdreg $0x60  }
0xae: {  	[dreg:$0x2] =	wrdreg s2  }
0xaf: {  	[dreg:$0x3] =	wrdreg s24  }
0xb0: {  	[dreg:$0x4] =	wrdreg $0x33E00  }
0xb1: {  	[dreg:$0x5] =	wrdreg $0x9  }
0xb2: {  	_ =	task.clear_ibuf [dreg:s7], $0x6FFFF;
	_ =	strace $0x90000049  }
0xb3: {  	s29 =	simm.s32 $0x9;
	_ =	strace $0x8000004B  }
0xb4: {  	_ =	swait.ge [sflag:s29], $0x1  }
0xb5: {  	[sflag:s29] =	ssyncadd.s32 $0xFFFFFFFF  }
0xb6: {  	_ =	strace $0x9000004B  }
0xb7: {  	_ =	sfence  }
0xb8: {  	s30 =	sld [smem:$0x0];
	_ =	sdelay $0x2  }
0xb9: {  	s31 =	sshll.u32 s1, $0xD;
	s1 =	sshrl.u32 s1, $0x2  }
0xba: {  	s3 =	sand.u32 $0x4000, s31;
	s1 =	sadd.s32 s1, s30  }
0xbb: {  	s0 =	sor.u32 s3, s0;
	s1 =	sshll.u32 s1, $0x11  }
0xbc: {  	s0 =	sor.u32 s1, s0  }
0xbd: {  	s0 =	sadd.s32 $0x8F2B, s0  }
0xbe: {  	[sflag:s0] =	ssyncadd.remote.s32 $0x1  }
0xbf: {  	_ =	sfence.sel $0xFFFF  }
0xc0: {  	[dreg:$0x0] =	wrdreg $0xFFFFFFFF;
	(pc) =	sbr.abs _section_cstart, $3  }
0xc1: {  	[dreg:$0x1] =	wrdreg $0xFFFFFFFF  }
0xc2: {  	_ =	task.clear_ibuf [dreg:s7], $0x2FFFF;
	_ =	strace $0x9FFFFFFF  }
0xc3: {  	(tm) =	ssettm $0x7FFFFFFF  }
tec
execute0_lowered:
.L_overlay_start_1:
0x0: {  	(tag) =	ssettag $0x1  }
0x1: {  	s0 =	rddreg [dreg:$0x0]  }
0x2: {  	s1 =	srdreg.scid;
	s5 =	rddreg [dreg:$0x1]  }
0x3: {  	s2 =	stileid.u32;
	s3 =	rddreg [dreg:$0x2];
	s4 =	simm.s32 $0x0  }
0x4: {  	s16 =	simm.s32 $0x2;
	s17 =	simm.s32 $0x50;
	s18 =	simm.s32 $0xA0  }
0x5: {  	s19 =	simm.s32 $0x1;
	s22 =	simm.s32 $0x0;
	s8 =	smul.u32 $0x2710, s2  }
0x6: {  	s6 =	sand.u32 $0x1, s1;
	s1 =	rddreg [dreg:$0x3];
	s29 =	smul.u32 $0x27100, s2  }
0x7: {  	[smem:$0x7FF] =	sst s4;
	s11 =	smul.u32 $0x9C00, s2;
	s12 =	sadd.s32 $0x8C000, s5  }
0x8: {  	s21 =	sadd.s32 $0x9C000, s3;
	p0 =	sne.s32 s2, $0x0;
	s7 =	smul.u32 $0x27100, s6  }
0x9: {  	_ =	strace $0x8000004A;
	s30 =	ssub.s32 $0x2, s6;
	s9 =	smul.u32 $0x9C400, s6  }
0xa: {  	s21 =	sshrl.u32 @!p0 s21, $0x3;
	s31 =	sshrl.u32 s30, $0x1;
	s20 =	sadd.s32 s11, s3  }
0xb: {  	s7 =	sadd.s32 s8, s7;
	s8 =	sshrl.u32 s29, $0x2;
	s13 =	ssub.s32 s30, s31  }
0xc: {  	s10 =	sadd.s32 s11, s9;
	s15 =	sshrl.u32 s9, $0x3;
	s7 =	sshrl.u32 s7, $0x3  }
0xd: {  	s20 =	sshrl.u32 s20, $0x3;
	s10 =	sshrl.u32 s10, $0x3;
	s14 =	sadd.s32 s7, s5  }
0xe: {  	s5 =	sadd.s32 s8, s3;
	s10 =	sadd.s32 s12, s10;
	s12 =	sadd.s32 s12, s15  }
0xf: {  	s15 =	simm.s32 $0x14A0;
	s6 =	sadd.s32 $0x1F40, s5;
	s7 =	sadd.s32 $0x3E80, s5  }
0x10: {  	s8 =	sadd.s32 $0x5DC0, s5;
	s9 =	sadd.s32 $0x7D00, s5;
	s11 =	sadd.s32 $0x13800, s12  }
0x11: {  	v0 =	vimm.f32 $0.0e+00;
	s12 =	smax.u32 s13, $0x1;
	s13 =	sadd.s32 $0x3000, s14;
	s14 =	sadd.s32 $0xCE00, s14  }
.LBB2_1:
0x12: {  	s24 =	simm.s32 $0x100;
	s23 =	simm.s32 $0x0  }
.LBB2_2:
0x13: {  	p1 =	sne.s32 s24, $0x7C00;
	[tilespmem:s23+$0x14D0] =	vst v0;
	s25 =	smov.u32 s24;
	s24 =	sadd.s32 $0x100, s24  }
.Ltmp0:
0x14: {  	[tilespmem:s23+$0x14C0] =	vst v0;
	(pc) =	sbr.rel @p1 .LBB2_2-.Ltmp0, $3  }
0x15: {  	[tilespmem:s23+$0x14A0] =	vst v0  }
0x16: {  	[tilespmem:s23+$0x14B0] =	vst v0;
	_ =	sdelay $0x1  }
0x17: {  	s23 =	sshra.s32 s25, $0x2  }
0x18: {  	[tilespmem:s23+$0x14D0] =	vst v0  }
0x19: {  	[tilespmem:s23+$0x14C0] =	vst v0  }
0x1a: {  	[tilespmem:s23+$0x14A0] =	vst v0  }
0x1b: {  	[tilespmem:s23+$0x14B0] =	vst v0  }
0x1c: {  	[spmem:s5] =	stream.linear.scatter [tilespmem:s15], [sflag:$0x2], $0x1F40, $0x38;
	[tilespmem:$0xD020] =	vst v63  }
0x1d: {  	_ =	swait.ge [sflag:s16], $0x1F40  }
0x1e: {  	[sflag:s16] =	ssyncset.done $0x0  }
0x1f: {  	[sflag:s16] =	ssyncadd.s32 $0xFFFFE0C0  }
0x20: {  	[spmem:s6] =	stream.linear.scatter [tilespmem:s15], [sflag:$0x2], $0x1F40, $0x38;
	[tilespmem:$0xD020] =	vst v63  }
0x21: {  	_ =	swait.ge [sflag:s16], $0x1F40  }
0x22: {  	[sflag:s16] =	ssyncset.done $0x0  }
0x23: {  	[sflag:s16] =	ssyncadd.s32 $0xFFFFE0C0  }
0x24: {  	[spmem:s7] =	stream.linear.scatter [tilespmem:s15], [sflag:$0x2], $0x1F40, $0x38;
	[tilespmem:$0xD020] =	vst v63  }
0x25: {  	_ =	swait.ge [sflag:s16], $0x1F40  }
0x26: {  	[sflag:s16] =	ssyncset.done $0x0  }
0x27: {  	[sflag:s16] =	ssyncadd.s32 $0xFFFFE0C0  }
0x28: {  	[spmem:s8] =	stream.linear.scatter [tilespmem:s15], [sflag:$0x2], $0x1F40, $0x38;
	[tilespmem:$0xD020] =	vst v63  }
0x29: {  	_ =	swait.ge [sflag:s16], $0x1F40  }
0x2a: {  	[sflag:s16] =	ssyncset.done $0x0  }
0x2b: {  	[sflag:s16] =	ssyncadd.s32 $0xFFFFE0C0  }
0x2c: {  	[spmem:s9] =	stream.linear.scatter [tilespmem:s15], [sflag:$0x2], $0x1F40, $0x38;
	[tilespmem:$0xD020] =	vst v63  }
0x2d: {  	_ =	swait.ge [sflag:s16], $0x1F40  }
0x2e: {  	[sflag:s16] =	ssyncset.done $0x0  }
0x2f: {  	[sflag:s16] =	ssyncadd.s32 $0xFFFFE0C0  }
0x30: {  	s30 =	sadd.s32 $0x0, s14;
	[bflag:$0x0] =	sbarrier.arrive $0xFFFF  }
0x31: {  	[tilespmem:s4], [sflag:$0x2] =	stream.linear.gather [hbm4b:s30+s4], $0x50, $0x38;
	[tilespmem:$0xD020] =	vst v63  }
0x32: {  	_ =	swait.ge [sflag:s16], $0x50  }
0x33: {  	[sflag:s16] =	ssyncset.done $0x0  }
0x34: {  	s31 =	sadd.s32 $0x0, s13;
	[sflag:s16] =	ssyncadd.s32 $0xFFFFFFB0  }
0x35: {  	[tilespmem:s17], [sflag:$0x2] =	stream.linear.gather [hbm4b:s31+s4], $0x50, $0x38;
	[tilespmem:$0xD020] =	vst v63  }
0x36: {  	_ =	swait.ge [sflag:s16], $0x50  }
0x37: {  	[sflag:s16] =	ssyncset.done $0x0  }
0x38: {  	[sflag:s16] =	ssyncadd.s32 $0xFFFFFFB0  }
0x39: {  	[tilespmem:s18], [sflag:$0x1] =	stream.indirect.gather [hbm4b:s0+s17], $0x40, s4, s17, $0xb8;
	[tilespmem:$0xD020] =	vst v63  }
0x3a: {  	_ =	swait.ge [sflag:s19], $0x1400  }
0x3b: {  	[sflag:s19] =	ssyncset.done $0x0  }
0x3c: {  	[sflag:s19] =	ssyncadd.s32 $0xFFFFEC00  }
0x3d: {  	[spmem:s3] =	stream.indirect.scatter.add.f32 [tilespmem:s18], [sflag:$0x2], $0x40, s17, s17, $0xb8;
	[tilespmem:$0xD020] =	vst v63  }
0x3e: {  	_ =	swait.ge [sflag:s16], $0x1400  }
0x3f: {  	s23 =	simm.s32 $0xA;
	s24 =	simm.s32 $0x14;
	[sflag:s16] =	ssyncset.done $0x0  }
.LBB2_4:
0x40: {  	s25 =	sadd.s32 s23, s14  }
0x41: {  	[sflag:s16] =	ssyncadd.s32 $0xFFFFEC00;
	s26 =	smov.u32 s24;
	s28 =	sadd.s32 $0xA, s24  }
0x42: {  	[tilespmem:s4], [sflag:$0x2] =	stream.linear.gather [hbm4b:s25+s4], $0x50, $0x38;
	[tilespmem:$0xD020] =	vst v63  }
0x43: {  	p1 =	sne.s32 s24, $0x4D8;
	_ =	swait.ge [sflag:s16], $0x50  }
0x44: {  	[sflag:s16] =	ssyncset.done $0x0  }
0x45: {  	s24 =	sadd.s32 s23, s13;
	s23 =	smov.u32 s26;
	[sflag:s16] =	ssyncadd.s32 $0xFFFFFFB0  }
0x46: {  	[tilespmem:s17], [sflag:$0x2] =	stream.linear.gather [hbm4b:s24+s4], $0x50, $0x38;
	[tilespmem:$0xD020] =	vst v63  }
0x47: {  	_ =	swait.ge [sflag:s16], $0x50  }
0x48: {  	[sflag:s16] =	ssyncset.done $0x0  }
0x49: {  	[sflag:s16] =	ssyncadd.s32 $0xFFFFFFB0  }
0x4a: {  	[tilespmem:s18], [sflag:$0x1] =	stream.indirect.gather [hbm4b:s0+s17], $0x40, s4, s17, $0xb8;
	[tilespmem:$0xD020] =	vst v63  }
0x4b: {  	_ =	swait.ge [sflag:s19], $0x1400  }
.Ltmp1:
0x4c: {  	[sflag:s19] =	ssyncset.done $0x0;
	(pc) =	sbr.rel @p1 .LBB2_4-.Ltmp1, $4  }
0x4d: {  	[sflag:s19] =	ssyncadd.s32 $0xFFFFEC00  }
0x4e: {  	[spmem:s3] =	stream.indirect.scatter.add.f32 [tilespmem:s18], [sflag:$0x2], $0x40, s17, s17, $0xb8;
	[tilespmem:$0xD020] =	vst v63  }
0x4f: {  	_ =	swait.ge [sflag:s16], $0x1400  }
0x50: {  	s24 =	smov.u32 s28;
	[sflag:s16] =	ssyncset.done $0x0  }
0x51: {  	s24 =	sadd.s32 s23, s14;
	[sflag:s16] =	ssyncadd.s32 $0xFFFFEC00  }
0x52: {  	[tilespmem:s4], [sflag:$0x2] =	stream.linear.gather [hbm4b:s24+s4], $0x50, $0x38;
	[tilespmem:$0xD020] =	vst v63  }
0x53: {  	_ =	swait.ge [sflag:s16], $0x50  }
0x54: {  	[sflag:s16] =	ssyncset.done $0x0  }
0x55: {  	s30 =	sadd.s32 s23, s13;
	[sflag:s16] =	ssyncadd.s32 $0xFFFFFFB0  }
0x56: {  	[tilespmem:s17], [sflag:$0x2] =	stream.linear.gather [hbm4b:s30+s4], $0x50, $0x38;
	[tilespmem:$0xD020] =	vst v63  }
0x57: {  	_ =	swait.ge [sflag:s16], $0x50  }
0x58: {  	[sflag:s16] =	ssyncset.done $0x0  }
0x59: {  	[sflag:s16] =	ssyncadd.s32 $0xFFFFFFB0  }
0x5a: {  	[tilespmem:s18], [sflag:$0x1] =	stream.indirect.gather [hbm4b:s0+s17], $0x40, s4, s17, $0xb8;
	[tilespmem:$0xD020] =	vst v63  }
0x5b: {  	_ =	swait.ge [sflag:s19], $0x1400  }
0x5c: {  	[sflag:s19] =	ssyncset.done $0x0  }
0x5d: {  	[sflag:s19] =	ssyncadd.s32 $0xFFFFEC00  }
0x5e: {  	[spmem:s3] =	stream.indirect.scatter.add.f32 [tilespmem:s18], [sflag:$0x2], $0x40, s17, s17, $0xb8;
	[tilespmem:$0xD020] =	vst v63  }
0x5f: {  	_ =	swait.ge [sflag:s16], $0x1400  }
0x60: {  	[sflag:s16] =	ssyncset.done $0x0  }
0x61: {  	s31 =	sshll.u32 s2, $0x6;
	[sflag:s16] =	ssyncadd.s32 $0xFFFFEC00  }
0x62: {  	s23 =	sor.u32 $0x1C02, s31;
	[bflag:$0x0] =	sbarrier.arrive $0xFFFF  }
0x63: {  	[hbm:s10], [sflag:s23] =	dma.local [spmem:s20], $0x1380  }
0x64: {  	_ =	swait.ge [sflag:s16], $0x1380  }
0x65: {  	s22 =	sadd.s32 $0x1, s22;
	[sflag:s16] =	ssyncset.done $0x0  }
0x66: {  	p1 =	sne.s32 s22, s12;
	[sflag:s16] =	ssyncadd.s32 $0xFFFFEC80  }
0x67: {  	[hbm:s11], [sflag:s23] =	dma.local @!p0 [spmem:s21], $0x80  }
.Ltmp2:
0x68: {  	_ = 	snop;
	(pc) =	sbr.rel @p1 .LBB2_1-.Ltmp2, $4  }
0x69: {  	s23 =	simm.s32 @!p0 $0x2  }
0x6a: {  	_ =	swait.ge @!p0 [sflag:s23], $0x80  }
0x6b: {  	[sflag:s23] =	ssyncset.done @!p0 $0x0  }
0x6c: {  	[sflag:s23] =	ssyncadd.s32 @!p0 $0xFFFFFF80  }
0x6d: {  	_ =	sfence.sel $0x180000  }
0x6e: {  	[bflag:$0x0] =	sbarrier.arrive $0xFFFF  }
0x6f: {  	_ =	strace $0x9000004A  }
0x70: {  	s0 =	sadd.s32 @!p0 $0x100000, s1;
	[bflag:$0x2] =	sbarrier.arrive $0xFFFF  }
0x71: {  	[sflag:s0] =	ssyncadd.tile.s32 @!p0 $0x1;
	_ =	shalt  }
.Lfunc_end2:
_tile_overlayer_lowered:
.L_overlay_start_2:
0x72: {  	(tag) =	ssettag $0x2  }
0x73: {  	s0 =	rddreg [dreg:$0x0];
	s2 =	stileid.u32  }
0x74: {  	s1 =	rddreg [dreg:$0x1];
	p0 =	sne.s32 s2, $0x0  }
0x75: {  	s3 =	rddreg [dreg:$0x2];
	[bflag:$0x3] =	sbarrier.arrive $0xFFFF;
	s2 =	simm.s32 @!p0 $0x1C02  }
0x76: {  	[timem:s3], [sflag:s2] =	dma.local @!p0 [hbm:s0], s1  }
0x77: {  	s0 =	simm.s32 @!p0 $0x2  }
0x78: {  	_ =	swait.ge @!p0 [sflag:s0], s1  }
0x79: {  	s1 =	ssub.s32 @!p0 $0x0, s1;
	[sflag:s0] =	ssyncset.done @!p0 $0x0  }
0x7a: {  	[sflag:s0] =	ssyncadd.s32 @!p0 s1  }
0x7b: {  	[bflag:$0x3] =	sbarrier.arrive $0xFFFF  }
0x7c: {  	_ =	shalt  }

// kernel: kernel.7.cloned.1.call-start
scs
__scs_entry_jumppad:
0x0: {  	(pc) =	sbr.rel $0x88, $3  }
0x1: {  	(tag) =	ssettag $0x0;
	lr =	simm.s32 $0x1  }
0x2: {  	[smem:$0x3F98] =	sst lr;
	_ =	strace $0xD0000000  }
0x3: {  	_ = 	snop  }
0x4: {  	_ = 	snop  }
0x5: {  	_ = 	snop  }
0x6: {  	_ = 	snop  }
0x7: {  	_ = 	snop  }
__scs_overlays_trampoline_lowered:
0x8: {  	[smem:$0x3FA7] =	sst s0  }
0x9: {  	[smem:$0x3FA8] =	sst s1  }
0xa: {  	[smem:$0x3FA9] =	sst s2  }
0xb: {  	[smem:$0x3FAA] =	sst s3  }
0xc: {  	[smem:$0x3FAB] =	sst s4  }
0xd: {  	[smem:$0x3FAC] =	sst s5  }
0xe: {  	[smem:$0x3FAD] =	sst s6  }
0xf: {  	[smem:$0x3FAE] =	sst s7  }
0x10: {  	[smem:$0x3FAF] =	sst s8  }
0x11: {  	[smem:$0x3FB0] =	sst s9;
	s0 =	simm.s32 @!p0 $0x0  }
0x12: {  	s1 =	sld [smem:$0x3F96];
	s0 =	simm.s32 @p0 $0x1  }
0x13: {  	[smem:$0x3FB1] =	sst s0;
	s0 =	simm.s32 @!p1 $0x0  }
0x14: {  	s2 =	sld [smem:$0x3F95];
	s0 =	simm.s32 @p1 $0x1  }
0x15: {  	[smem:$0x3FB2] =	sst s0;
	s0 =	simm.s32 @!p2 $0x0  }
0x16: {  	s3 =	sld [smem:$0x3FDB];
	s0 =	simm.s32 @p2 $0x1  }
0x17: {  	s4 =	simm.s32 $0x1BF5;
	[smem:$0x3FB4] =	sst s0  }
0x18: {  	s0 =	sld [smem:$0x3F97];
	_ =	swait.ge [sflag:s4], $0x0  }
0x19: {  	s7 =	sld [smem:$0x3F98]  }
0x1a: {  	s8 =	sadd.s32 $0xFFFFE003, lr  }
0x1b: {  	s9 =	sadd.s32 $0xFFFFFEF7, lr;
	s5 =	simm.s32 $0xFFFFFFFF;
	p2 =	slt.u32 s8, $0xFFFFF086  }
0x1c: {  	p1 =	slt.u32 s9, $0xF7A;
	s5 =	simm.s32 @!p2 $0x0  }
0x1d: {  	s5 =	simm.s32 @p1 $0x1;
	p0 =	seq.s32 s7, s2  }
0x1e: {  	s7 =	smul.u32 @!p0 $0xF7A, s2;
	p2 =	seq.s32 @!p0 s5, $0x0  }
0x1f: {  	s9 =	smul.u32 $0xF7A, s1;
	s8 =	simm.s32 @!p0 $0x1BF5;
	p2 =	por !p2, p0  }
0x20: {  	[sflag:s8] =	ssyncset.s32 @!p0 $0xFFFFF086;
	s6 =	sadd.s32 @!p0 s3, s7;
	s7 =	simm.s32 @!p0 $0x108  }
0x21: {  	s3 =	sadd.s32 s3, s9;
	s6 =	sadd.s32 @!p0 $0x88, s6;
	s7 =	simm.s32 @p2 $0x1082  }
0x22: {  	[simem:s7], [sflag:s8] =	dma.local @!p0 [hbm:s6], $0xF7A  }
0x23: {  	s9 =	sor.u32 $0xD0000000, s2;
	s6 =	simm.s32 $0x108;
	_ =	swait.ge @!p0 [sflag:s8], $0x0  }
0x24: {  	s3 =	sadd.s32 $0x88, s3;
	s6 =	simm.s32 @!p1 $0x1082;
	[sflag:s4] =	ssyncset.s32 $0xFFFFF086  }
0x25: {  	[simem:s6], [sflag:s4] =	dma.local [hbm:s3], $0xF7A  }
0x26: {  	[smem:$0x3F98] =	sst s1;
	(tag) =	ssettag s2;
	_ =	strace s9  }
0x27: {  	s1 =	sld [smem:$0x3FA8]  }
0x28: {  	s2 =	sld [smem:$0x3FA9]  }
0x29: {  	s4 =	sld [smem:$0x3FAB]  }
0x2a: {  	p0 =	seq.s32 s5, $0x0;
	s5 =	sld [smem:$0x3FAC]  }
0x2b: {  	s6 =	sld [smem:$0x3FAD]  }
0x2c: {  	s7 =	sld [smem:$0x3FAE]  }
0x2d: {  	s3 =	simm.s32 $0x108;
	s8 =	sld [smem:$0x3FAF]  }
0x2e: {  	s3 =	simm.s32 @!p0 $0x1082;
	s9 =	sld [smem:$0x3FB0]  }
0x2f: {  	lr =	sadd.s32 s0, s3;
	s0 =	sld [smem:$0x3FA7]  }
0x30: {  	s3 =	sld [smem:$0x3FAA]  }
0x31: {  	[smem:$0x3FB3] =	sst s10  }
0x32: {  	s10 =	sld [smem:$0x3FB1];
	_ =	sdelay $0x3  }
0x33: {  	p0 =	seq.s32 s10, $0x1;
	s10 =	sld [smem:$0x3FB3];
	_ =	sdelay $0x3  }
0x34: {  	[smem:$0x3FB3] =	sst s10  }
0x35: {  	s10 =	sld [smem:$0x3FB2];
	_ =	sdelay $0x3  }
0x36: {  	p1 =	seq.s32 s10, $0x1;
	s10 =	sld [smem:$0x3FB3];
	_ =	sdelay $0x3  }
0x37: {  	[smem:$0x3FB3] =	sst s10  }
0x38: {  	s10 =	sld [smem:$0x3FB4]  }
0x39: {  	_ = 	snop;
	(pc) =	sbr.ind lr, $3  }
0x3a: {  	_ = 	snop  }
0x3b: {  	_ = 	snop  }
0x3c: {  	p2 =	seq.s32 s10, $0x1;
	s10 =	sld [smem:$0x3FB3]  }
0x3d: {  	_ =	shalt  }
0x3e: {  	_ =	shalt  }
0x3f: {  	_ =	shalt  }
0x40: {  	_ =	shalt  }
0x41: {  	_ =	shalt  }
0x42: {  	_ =	shalt  }
0x43: {  	_ =	shalt  }
0x44: {  	_ =	shalt  }
0x45: {  	_ =	shalt  }
0x46: {  	_ =	shalt  }
0x47: {  	_ =	shalt  }
0x48: {  	_ =	shalt  }
0x49: {  	_ =	shalt  }
0x4a: {  	_ =	shalt  }
0x4b: {  	_ =	shalt  }
0x4c: {  	_ =	shalt  }
0x4d: {  	_ =	shalt  }
0x4e: {  	_ =	shalt  }
0x4f: {  	_ =	shalt  }
0x50: {  	_ =	shalt  }
0x51: {  	_ =	shalt  }
0x52: {  	_ =	shalt  }
0x53: {  	_ =	shalt  }
0x54: {  	_ =	shalt  }
0x55: {  	_ =	shalt  }
0x56: {  	_ =	shalt  }
0x57: {  	_ =	shalt  }
0x58: {  	_ =	shalt  }
0x59: {  	_ =	shalt  }
0x5a: {  	_ =	shalt  }
0x5b: {  	_ =	shalt  }
0x5c: {  	_ =	shalt  }
0x5d: {  	_ =	shalt  }
0x5e: {  	_ =	shalt  }
0x5f: {  	_ =	shalt  }
0x60: {  	_ =	shalt  }
0x61: {  	_ =	shalt  }
0x62: {  	_ =	shalt  }
0x63: {  	_ =	shalt  }
0x64: {  	_ =	shalt  }
0x65: {  	_ =	shalt  }
0x66: {  	_ =	shalt  }
0x67: {  	_ =	shalt  }
0x68: {  	_ =	shalt  }
0x69: {  	_ =	shalt  }
0x6a: {  	_ =	shalt  }
0x6b: {  	_ =	shalt  }
0x6c: {  	_ =	shalt  }
0x6d: {  	_ =	shalt  }
0x6e: {  	_ =	shalt  }
0x6f: {  	_ =	shalt  }
0x70: {  	_ =	shalt  }
0x71: {  	_ =	shalt  }
0x72: {  	_ =	shalt  }
0x73: {  	_ =	shalt  }
0x74: {  	_ =	shalt  }
0x75: {  	_ =	shalt  }
0x76: {  	_ =	shalt  }
0x77: {  	_ =	shalt  }
0x78: {  	_ =	shalt  }
0x79: {  	_ =	shalt  }
0x7a: {  	_ =	shalt  }
0x7b: {  	_ =	shalt  }
0x7c: {  	_ =	shalt  }
0x7d: {  	_ =	shalt  }
0x7e: {  	_ =	shalt  }
0x7f: {  	_ =	shalt  }
0x80: {  	_ =	shalt  }
0x81: {  	_ =	shalt  }
0x82: {  	_ =	shalt  }
0x83: {  	_ =	shalt  }
0x84: {  	_ =	shalt  }
0x85: {  	_ =	shalt  }
0x86: {  	_ =	shalt  }
0x87: {  	_ =	shalt  }
.Lfunc_end0:
.L_simem_size_0:
called_computation_lowered:
.L_overlay_start_0:
0x88: {  	s2 =	sld [smem:$0x3FD9]  }
0x89: {  	s3 =	sld [smem:$0x3FFE];
	_ =	sdelay $0x1  }
0x8a: {  	s1 =	srdreg.scid  }
0x8b: {  	s0 =	sand.u32 $0x1, s1  }
0x8c: {  	s17 =	sshll.u32 s0, $0xA;
	s2 =	sadd.s32 s3, s2  }
0x8d: {  	s2 =	sadd.s32 s2, s17  }
0x8e: {  	[smem:$0x3FBF] =	sst s2  }
0x8f: {  	_ = 	snop  }
0x90: {  	s2 =	sld [smem:$0x3FC9]  }
0x91: {  	s18 =	sld [smem:$0x3FD0];
	(tm) =	ssettm $0x1  }
0x92: {  	s4 =	sld [smem:$0x3FFB];
	_ =	sdelay $0x3  }
0x93: {  	_ =	strace s4  }
0x94: {  	s4 =	sld [smem:$0x3FFC];
	_ =	sdelay $0x3  }
0x95: {  	_ =	strace s4  }
0x96: {  	s4 =	sld [smem:$0x3FFD];
	_ =	sdelay $0x3  }
0x97: {  	_ =	strace s4  }
0x98: {  	_ =	strace $0x8FFFFFFF  }
0x99: {  	s19 =	sld [smem:$0x3FDB];
	_ =	sdelay $0x1  }
0x9a: {  	s5 =	simm.s32 $_scs_section_size  }
0x9b: {  	s6 =	simm.s32 $_size__tile_overlayer_lowered;
	s7 =	simm.s32 $_tile_overlayer_lowered  }
0x9c: {  	s22 =	simm.s32 $0x1BFF;
	s21 =	sshll.u32 s7, $0x1;
	s4 =	sadd.s32 s5, s19  }
0x9d: {  	s8 =	simm.s32 $0x0;
	s20 =	sshll.u32 s6, $0x1;
	s6 =	sadd.s32 s21, s4  }
0x9e: {  	[timem:s8], [sflag:s22] =	dma.local [hbm:s6], s20  }
0x9f: {  	_ =	swait.ge [sflag:s22], s20  }
0xa0: {  	s5 =	ssub.s32 $0x0, s20;
	[sflag:s22] =	ssyncset.done $0x0  }
0xa1: {  	[sflag:s22] =	ssyncadd.s32 s5;
	_ =	sdelay $0x1  }
0xa2: {  	s23 =	simm.s32 $0x1B8B  }
0xa3: {  	_ =	swait.ge [sflag:s23], $0x1  }
0xa4: {  	[sflag:s23] =	ssyncset.done $0x0  }
0xa5: {  	s25 =	simm.s32 $0x1B8E;
	s24 =	sld [smem:$0x3FFE];
	[sflag:s23] =	ssyncadd.s32 $0xFFFFFFFF  }
0xa6: {  	s26 =	simm.s32 $execute0_lowered;
	[smem:$0x3FD2] =	sst s25  }
0xa7: {  	s6 =	sshll.u32 s26, $0x1;
	_ =	strace $0x80000046;
	[dreg:$0x1] =	wrdreg $0xFFFFFFFF  }
0xa8: {  	s28 =	simm.s32 $_size_execute0_lowered;
	s4 =	sadd.s32 s4, s6;
	[dreg:$0x0] =	wrdreg $0x0  }
0xa9: {  	s6 =	sshll.u32 s28, $0x1;
	[dreg:$0x2] =	wrdreg s4  }
0xaa: {  	[dreg:$0x3] =	wrdreg s6  }
0xab: {  	[dreg:$0x4] =	wrdreg $0xC0  }
0xac: {  	_ =	task [dreg:s8], $0x5FFFF  }
0xad: {  	[dreg:$0x1] =	wrdreg $0xFFFFFFFF  }
0xae: {  	[dreg:$0x0] =	wrdreg $0x60  }
0xaf: {  	[dreg:$0x2] =	wrdreg s2  }
0xb0: {  	[dreg:$0x3] =	wrdreg s24  }
0xb1: {  	[dreg:$0x4] =	wrdreg s18  }
0xb2: {  	[dreg:$0x5] =	wrdreg $0x90800  }
0xb3: {  	[dreg:$0x6] =	wrdreg $0x9  }
0xb4: {  	_ =	task.clear_ibuf [dreg:s8], $0x7FFFF;
	_ =	strace $0x90000046  }
0xb5: {  	s29 =	simm.s32 $0x9;
	_ =	strace $0x80000048  }
0xb6: {  	_ =	swait.ge [sflag:s29], $0x1  }
0xb7: {  	[sflag:s29] =	ssyncadd.s32 $0xFFFFFFFF  }
0xb8: {  	_ =	strace $0x90000048  }
0xb9: {  	_ =	sfence  }
0xba: {  	s30 =	sld [smem:$0x0];
	_ =	sdelay $0x2  }
0xbb: {  	s31 =	sshll.u32 s1, $0xD;
	s1 =	sshrl.u32 s1, $0x2  }
0xbc: {  	s3 =	sand.u32 $0x4000, s31;
	s1 =	sadd.s32 s1, s30  }
0xbd: {  	s0 =	sor.u32 s3, s0;
	s1 =	sshll.u32 s1, $0x11  }
0xbe: {  	s0 =	sor.u32 s1, s0  }
0xbf: {  	s0 =	sadd.s32 $0x8F2B, s0  }
0xc0: {  	[sflag:s0] =	ssyncadd.remote.s32 $0x1  }
0xc1: {  	_ =	sfence.sel $0xFFFF  }
0xc2: {  	[dreg:$0x0] =	wrdreg $0xFFFFFFFF;
	(pc) =	sbr.abs _section_cstart, $3  }
0xc3: {  	[dreg:$0x1] =	wrdreg $0xFFFFFFFF  }
0xc4: {  	_ =	task.clear_ibuf [dreg:s8], $0x2FFFF;
	_ =	strace $0x9FFFFFFF  }
0xc5: {  	(tm) =	ssettm $0x7FFFFFFF  }
tec
execute0_lowered:
.L_overlay_start_1:
0x0: {  	(tag) =	ssettag $0x1  }
0x1: {  	s0 =	rddreg [dreg:$0x0]  }
0x2: {  	s5 =	rddreg [dreg:$0x1]  }
0x3: {  	s1 =	srdreg.scid;
	s10 =	rddreg [dreg:$0x2]  }
0x4: {  	s2 =	stileid.u32;
	s3 =	rddreg [dreg:$0x3];
	s4 =	simm.s32 $0x0  }
0x5: {  	s18 =	simm.s32 $0x80;
	s19 =	simm.s32 $0x50;
	s8 =	smul.u32 $0x2710, s2  }
0x6: {  	s20 =	simm.s32 $0x100;
	s21 =	simm.s32 $0x1;
	s24 =	smul.u32 $0x4E200, s2  }
0x7: {  	s7 =	sand.u32 $0x1, s1;
	s1 =	rddreg [dreg:$0x4];
	s16 =	smul.u32 $0x13800, s2  }
0x8: {  	s22 =	simm.s32 $0x6900;
	[smem:$0x7FF] =	sst s4;
	s17 =	smul.u32 $0x4E000, s2  }
0x9: {  	s11 =	sadd.s32 $0x16C00, s5;
	p0 =	sne.s32 s2, $0x0;
	s6 =	smul.u32 $0x27100, s7  }
0xa: {  	_ =	strace $0x80000047;
	s25 =	sshll.u32 s7, $0x4;
	s26 =	ssub.s32 $0x2, s7  }
0xb: {  	s14 =	smul.u32 $0x138800, s7;
	s9 =	sor.u32 s2, s25;
	s28 =	sshrl.u32 s24, $0x2  }
0xc: {  	s29 =	sshrl.u32 s26, $0x1;
	s31 =	sshrl.u32 s17, $0x2;
	s24 =	sadd.s32 $0x138000, s3  }
0xd: {  	s17 =	simm.s32 $0x2;
	s25 =	simm.s32 $0x0;
	s6 =	sadd.s32 s8, s6  }
0xe: {  	s12 =	smul.u32 $0x2710, s9;
	s13 =	ssub.s32 s26, s29;
	s30 =	sadd.s32 s16, s14  }
0xf: {  	s14 =	sshrl.u32 s14, $0x3;
	s23 =	sadd.s32 s31, s3;
	s16 =	simm.s32 $0x2900  }
0x10: {  	s24 =	sshrl.u32 @!p0 s24, $0x3;
	s6 =	sshrl.u32 s6, $0x3;
	s14 =	sadd.s32 s11, s14  }
0x11: {  	s13 =	smax.u32 s13, $0x1;
	s15 =	sadd.s32 s6, s5;
	s5 =	sadd.s32 s28, s3  }
0x12: {  	s23 =	sshrl.u32 s23, $0x3;
	s12 =	sshrl.u32 s12, $0x3;
	s6 =	sadd.s32 $0x3E80, s5  }
0x13: {  	s7 =	sadd.s32 $0x7D00, s5;
	s10 =	sadd.s32 s10, s12;
	s12 =	sshrl.u32 s30, $0x3  }
0x14: {  	s8 =	sadd.s32 $0xBB80, s5;
	s9 =	sadd.s32 $0xFA00, s5;
	s11 =	sadd.s32 s11, s12  }
0x15: {  	v0 =	vimm.f32 $0.0e+00;
	v1 =	vimm.f32 $1.000000000e+00;
	s12 =	sadd.s32 $0x27000, s14;
	s14 =	sadd.s32 $0x3000, s15;
	s15 =	sadd.s32 $0xCE00, s15  }
.LBB2_1:
0x16: {  	s26 =	simm.s32 $0x0;
	s28 =	simm.s32 $0x200  }
.LBB2_2:
0x17: {  	p1 =	sne.s32 s28, $0xF800;
	[tilespmem:s26+$0x2970] =	vst v0  }
0x18: {  	[tilespmem:s26+$0x2900] =	vst v0  }
0x19: {  	[tilespmem:s26+$0x2910] =	vst v0  }
.Ltmp0:
0x1a: {  	[tilespmem:s26+$0x2920] =	vst v0;
	(pc) =	sbr.rel @p1 .LBB2_2-.Ltmp0, $4  }
0x1b: {  	[tilespmem:s26+$0x2930] =	vst v0  }
0x1c: {  	[tilespmem:s26+$0x2940] =	vst v0  }
0x1d: {  	[tilespmem:s26+$0x2950] =	vst v0  }
0x1e: {  	[tilespmem:s26+$0x2960] =	vst v0;
	s26 =	sshra.s32 s28, $0x2;
	s28 =	sadd.s32 $0x200, s28  }
0x1f: {  	[tilespmem:s26+$0x2970] =	vst v0  }
0x20: {  	[tilespmem:s26+$0x2900] =	vst v0  }
0x21: {  	[tilespmem:s26+$0x2910] =	vst v0  }
0x22: {  	[tilespmem:s26+$0x2920] =	vst v0  }
0x23: {  	[tilespmem:s26+$0x2930] =	vst v0  }
0x24: {  	[tilespmem:s26+$0x2940] =	vst v0  }
0x25: {  	[tilespmem:s26+$0x2950] =	vst v0  }
0x26: {  	[tilespmem:s26+$0x2960] =	vst v0;
	s26 =	simm.s32 $0x40;
	s28 =	simm.s32 $0x0  }
.LBB2_4:
0x27: {  	p1 =	sne.s32 s26, $0x9C00;
	[tilespmem:s28+$0x6900] =	vst v0;
	s28 =	smov.u32 s26;
	s26 =	sadd.s32 $0x40, s26  }
.Ltmp1:
0x28: {  	(pc) =	sbr.rel @p1 .LBB2_4-.Ltmp1, $2  }
0x29: {  	_ =	sdelay $0x2  }
0x2a: {  	s28 =	sshra.s32 s28, $0x2  }
0x2b: {  	[tilespmem:s28+$0x6900] =	vst v0  }
0x2c: {  	[spmem:s5] =	stream.linear.scatter [tilespmem:s16], [sflag:$0x2], $0x3E80, $0x38;
	[tilespmem:$0x1C900] =	vst v63  }
0x2d: {  	_ =	swait.ge [sflag:s17], $0x3E80  }
0x2e: {  	[sflag:s17] =	ssyncset.done $0x0  }
0x2f: {  	[sflag:s17] =	ssyncadd.s32 $0xFFFFC180  }
0x30: {  	[spmem:s6] =	stream.linear.scatter [tilespmem:s16], [sflag:$0x2], $0x3E80, $0x38;
	[tilespmem:$0x1C900] =	vst v63  }
0x31: {  	_ =	swait.ge [sflag:s17], $0x3E80  }
0x32: {  	[sflag:s17] =	ssyncset.done $0x0  }
0x33: {  	[sflag:s17] =	ssyncadd.s32 $0xFFFFC180  }
0x34: {  	[spmem:s7] =	stream.linear.scatter [tilespmem:s16], [sflag:$0x2], $0x3E80, $0x38;
	[tilespmem:$0x1C900] =	vst v63  }
0x35: {  	_ =	swait.ge [sflag:s17], $0x3E80  }
0x36: {  	[sflag:s17] =	ssyncset.done $0x0  }
0x37: {  	[sflag:s17] =	ssyncadd.s32 $0xFFFFC180  }
0x38: {  	[spmem:s8] =	stream.linear.scatter [tilespmem:s16], [sflag:$0x2], $0x3E80, $0x38;
	[tilespmem:$0x1C900] =	vst v63  }
0x39: {  	_ =	swait.ge [sflag:s17], $0x3E80  }
0x3a: {  	[sflag:s17] =	ssyncset.done $0x0  }
0x3b: {  	[sflag:s17] =	ssyncadd.s32 $0xFFFFC180  }
0x3c: {  	[spmem:s9] =	stream.linear.scatter [tilespmem:s16], [sflag:$0x2], $0x3E80, $0x38;
	[tilespmem:$0x1C900] =	vst v63  }
0x3d: {  	_ =	swait.ge [sflag:s17], $0x3E80  }
0x3e: {  	[sflag:s17] =	ssyncset.done $0x0  }
0x3f: {  	[sflag:s17] =	ssyncadd.s32 $0xFFFFC180  }
0x40: {  	s26 =	simm.s32 $0x0;
	[bflag:$0x0] =	sbarrier.arrive $0xFFFF  }
.LBB2_6:
0x41: {  	s28 =	sadd.s32 s26, s15  }
0x42: {  	[tilespmem:s4], [sflag:$0x2] =	stream.linear.gather [hbm4b:s28+s4], $0x50, $0x38;
	[tilespmem:$0x1C900] =	vst v63  }
0x43: {  	_ =	swait.ge [sflag:s17], $0x50  }
0x44: {  	[sflag:s17] =	ssyncset.done $0x0  }
0x45: {  	s31 =	sadd.s32 s26, s14;
	[sflag:s17] =	ssyncadd.s32 $0xFFFFFFB0  }
0x46: {  	[tilespmem:s18], [sflag:$0x2] =	stream.linear.gather [hbm4b:s31+s4], $0x50, $0x38;
	[tilespmem:$0x1C900] =	vst v63  }
0x47: {  	_ =	swait.ge [sflag:s17], $0x50  }
0x48: {  	[sflag:s17] =	ssyncset.done $0x0  }
0x49: {  	[sflag:s17] =	ssyncadd.s32 $0xFFFFFFB0  }
0x4a: {  	[tilespmem:s20], [sflag:$0x1] =	stream.indirect.gather [hbm4b:s0+s19], $0x80, s4, s19, $0xb8;
	[tilespmem:$0x1C900] =	vst v63  }
0x4b: {  	_ =	swait.ge [sflag:s21], $0x2800  }
0x4c: {  	[sflag:s21] =	ssyncset.done $0x0  }
0x4d: {  	[sflag:s21] =	ssyncadd.s32 $0xFFFFD800  }
0x4e: {  	[spmem:s3] =	stream.indirect.scatter.add.f32 [tilespmem:s20], [sflag:$0x2], $0x80, s18, s19, $0xb8;
	[tilespmem:$0x1C900] =	vst v63  }
0x4f: {  	_ =	swait.ge [sflag:s17], $0x2800  }
0x50: {  	[sflag:s17] =	ssyncset.done $0x0  }
0x51: {  	[sflag:s17] =	ssyncadd.s32 $0xFFFFD800  }
0x52: {  	v2 =	vld [tilespmem:$0x80];
	_ =	sdelay $0x7  }
0x53: {  	[tilespmem:v2+s22+$0x0] =	vst.idx.add.f32.msk $0xffff, v1  }
0x54: {  	v2 =	vld [tilespmem:$0x90];
	_ =	sdelay $0x7  }
0x55: {  	[tilespmem:v2+s22+$0x0] =	vst.idx.add.f32.msk $0xffff, v1  }
0x56: {  	v2 =	vld [tilespmem:$0xA0];
	_ =	sdelay $0x7  }
0x57: {  	[tilespmem:v2+s22+$0x0] =	vst.idx.add.f32.msk $0xffff, v1  }
0x58: {  	v2 =	vld [tilespmem:$0xB0];
	_ =	sdelay $0x7  }
0x59: {  	[tilespmem:v2+s22+$0x0] =	vst.idx.add.f32.msk $0xffff, v1  }
0x5a: {  	v2 =	vld [tilespmem:$0xC0];
	_ =	sdelay $0x2  }
0x5b: {  	p1 =	sne.s32 s26, $0x4D8  }
.Ltmp2:
0x5c: {  	_ = 	snop;
	(pc) =	sbr.rel @p1 .LBB2_6-.Ltmp2, $2  }
0x5d: {  	_ =	sdelay $0x2  }
0x5e: {  	s26 =	sadd.s32 $0xA, s26;
	[tilespmem:v2+s22+$0x0] =	vst.idx.add.f32.msk $0xffff, v1  }
0x5f: {  	[bflag:$0x0] =	sbarrier.arrive $0xFFFF  }
0x60: {  	[hbm4b:s10+s4] =	stream.linear.scatter [tilespmem:s22], [sflag:$0x2], $0x2710, $0x38;
	[tilespmem:$0x1C900] =	vst v63  }
0x61: {  	_ =	swait.ge [sflag:s17], $0x2710  }
0x62: {  	s26 =	sshll.u32 s2, $0x6;
	[sflag:s17] =	ssyncset.done $0x0  }
0x63: {  	s26 =	sor.u32 $0x1C02, s26;
	[sflag:s17] =	ssyncadd.s32 $0xFFFFD8F0  }
0x64: {  	[hbm:s11], [sflag:s26] =	dma.local [spmem:s23], $0x2700  }
0x65: {  	_ =	swait.ge [sflag:s17], $0x2700  }
0x66: {  	s25 =	sadd.s32 $0x1, s25;
	[sflag:s17] =	ssyncset.done $0x0  }
0x67: {  	p1 =	sne.s32 s25, s13;
	[sflag:s17] =	ssyncadd.s32 $0xFFFFD900  }
0x68: {  	[hbm:s12], [sflag:s26] =	dma.local @!p0 [spmem:s24], $0x100  }
.Ltmp3:
0x69: {  	_ = 	snop;
	(pc) =	sbr.rel @p1 .LBB2_1-.Ltmp3, $4  }
0x6a: {  	s26 =	simm.s32 @!p0 $0x2  }
0x6b: {  	_ =	swait.ge @!p0 [sflag:s26], $0x100  }
0x6c: {  	[sflag:s26] =	ssyncset.done @!p0 $0x0  }
0x6d: {  	[sflag:s26] =	ssyncadd.s32 @!p0 $0xFFFFFF00  }
0x6e: {  	_ =	sfence.sel $0x180000  }
0x6f: {  	[bflag:$0x0] =	sbarrier.arrive $0xFFFF  }
0x70: {  	_ =	strace $0x90000047  }
0x71: {  	s0 =	sadd.s32 @!p0 $0x100000, s1;
	[bflag:$0x2] =	sbarrier.arrive $0xFFFF  }
0x72: {  	[sflag:s0] =	ssyncadd.tile.s32 @!p0 $0x1;
	_ =	shalt  }
.Lfunc_end2:
_tile_overlayer_lowered:
.L_overlay_start_2:
0x73: {  	(tag) =	ssettag $0x2  }
0x74: {  	s0 =	rddreg [dreg:$0x0];
	s2 =	stileid.u32  }
0x75: {  	s1 =	rddreg [dreg:$0x1];
	p0 =	sne.s32 s2, $0x0  }
0x76: {  	s3 =	rddreg [dreg:$0x2];
	[bflag:$0x3] =	sbarrier.arrive $0xFFFF;
	s2 =	simm.s32 @!p0 $0x1C02  }
0x77: {  	[timem:s3], [sflag:s2] =	dma.local @!p0 [hbm:s0], s1  }
0x78: {  	s0 =	simm.s32 @!p0 $0x2  }
0x79: {  	_ =	swait.ge @!p0 [sflag:s0], s1  }
0x7a: {  	s1 =	ssub.s32 @!p0 $0x0, s1;
	[sflag:s0] =	ssyncset.done @!p0 $0x0  }
0x7b: {  	[sflag:s0] =	ssyncadd.s32 @!p0 s1  }
0x7c: {  	[bflag:$0x3] =	sbarrier.arrive $0xFFFF  }
0x7d: {  	_ =	shalt  }

</sc_bundles>
